<compile_context>
chip_gen: v7x
topology: tpu7x:2x2x1
jax: 0.10.2.dev20260603
libtpu: 0.0.44.dev20260713+nightly
codegen_flags: <defaults>
</compile_context>

<pallas_src>
import functools
import jax
import jax.numpy as jnp
from jax import lax
from jax.experimental import pallas as pl
from jax.experimental.pallas import tpu as pltpu
from jax.experimental.pallas import tpu_sc as plsc

N_KEEP = 48 * 256
NC, NS = 2, 16
NW = NC * NS
CHUNK = 4
NBUF = 2

_mesh = plsc.VectorSubcoreMesh(core_axis_name="c", subcore_axis_name="s")


def _make_sc_copy(batch):
    rows_per_w = batch // NW
    nchunk = rows_per_w // CHUNK

    @functools.partial(
        pl.kernel,
        mesh=_mesh,
        out_type=jax.ShapeDtypeStruct((batch, N_KEEP), jnp.float32),
        scratch_types=[
            pltpu.VMEM((NBUF, CHUNK, N_KEEP), jnp.float32),
            pltpu.SemaphoreType.DMA,
            pltpu.SemaphoreType.DMA,
        ],
    )
    def _sc_copy(in_hbm, out_hbm, buf, sem_in, sem_out):
        wid = lax.axis_index("s") * NC + lax.axis_index("c")
        base = wid * rows_per_w

        def in_copy(g, slot):
            r0 = base + g * CHUNK
            return pltpu.make_async_copy(
                in_hbm.at[pl.ds(r0, CHUNK), pl.ds(0, N_KEEP)],
                buf.at[slot], sem_in)

        def out_copy(g, slot):
            r0 = base + g * CHUNK
            return pltpu.make_async_copy(
                buf.at[slot], out_hbm.at[pl.ds(r0, CHUNK)], sem_out)

        for g in range(NBUF):
            in_copy(g, g).start()
        for g in range(nchunk):
            slot = g % NBUF
            in_copy(g, slot).wait()
            oc = out_copy(g, slot)
            oc.start()
            oc.wait()
            if g + NBUF < nchunk:
                in_copy(g + NBUF, slot).start()

    return _sc_copy


def kernel(inputs):
    return _make_sc_copy(inputs.shape[0])(inputs)

# --- scband reference (transcript-rebuilt; emitter-appended) ---
"""Pipeline reference for scband-mask-layer-17841294148111 (READ-ONLY COPY).

The authoritative reference and input builder live on the scoring server;
editing this copy changes nothing except your own understanding.
"""

import jax, jax.numpy as jnp
import numpy as np

N_FILTER = 256
L = 128
ARR_MASK = np.array([True] * 48 + [False] * (L - 48))
# Original TF logic: arrayMask shape [1, L]; repeat nFilter times on axis 0 -> [nFilter, L];
# stack(axis=1) -> [L, nFilter]; reshape(-1) -> mask_full[l*nFilter + f] = ARR_MASK[l]
MASK_FULL = np.repeat(ARR_MASK, N_FILTER)  # shape [L * nFilter] = [32768]
IDX = np.nonzero(MASK_FULL)[0].astype(np.int32)  # 48 * 256 = 12288 kept columns


def setup_inputs(seed: int = 0) -> dict:
    key = jax.random.key(seed)
    inputs = jax.random.normal(key, (1024, L * N_FILTER), dtype=jnp.float32)
    return {"inputs": inputs}


def reference(inputs):
    # tf.boolean_mask(inputs, mask, axis=1) == gather of the True columns
    idx = jnp.asarray(IDX)
    out = jnp.take(inputs, idx, axis=1)
    # reshape to (batch, 48 * nFilter) exactly as the original module does
    return out.reshape(inputs.shape[0], 48 * N_FILTER)

if __name__ == "__main__":
    import jax
    _d = setup_inputs()
    print(jax.jit(kernel)(*tuple(_d.values())))

</pallas_src>

<mosaic_0001>
#map = affine_map<(d0, d1) -> (0, 0)>
module attributes {stable_mosaic.version = 14 : i64} {
  func.func @_sc_copy(%arg0: i32, %arg1: i32, %arg2: memref<1024x32768xf32, #tpu.memory_space<hbm>>, %arg3: memref<1024x12288xf32, #tpu.memory_space<hbm>>, %arg4: memref<2x4x12288xf32, #tpu.memory_space<vmem>>, %arg5: memref<!tpu.dma_semaphore, #tpu.memory_space<semaphore_mem>>, %arg6: memref<!tpu.dma_semaphore, #tpu.memory_space<semaphore_mem>>) attributes {dimension_semantics = [#tpu.dimension_semantics<core_parallel>, #tpu.dimension_semantics<subcore_parallel>], iteration_bounds = array<i64: 2, 16>, scalar_prefetch = 0 : i64, scratch_operands = 3 : i64, tpu.core_type = #tpu.core_type<sc_vector_subcore>, window_params = [{transform_indices = #map}, {transform_indices = #map}]} {
    %mul3A = arith.constant 2 : i32
    %mul3A_0 = arith.muli %arg1, %mul3A : i32
    %add3A = arith.addi %mul3A_0, %arg0 : i32
    %mul3A_1 = arith.constant 32 : i32
    %mul3A_2 = arith.muli %add3A, %mul3A_1 : i32
    %add3A_3 = arith.constant 0 : i32
    %add3A_4 = arith.addi %mul3A_2, %add3A_3 : i32
    %dma_start3A = arith.constant 0 : i32
    %dma_start3A_5 = arith.constant 0 : i32
    %dma_start3A_6 = arith.constant 0 : i32
    %dma_start3A_7 = tpu.memref_slice %arg4[%dma_start3A, %dma_start3A_5, %dma_start3A_6] : memref<2x4x12288xf32, #tpu.memory_space<vmem>> -> memref<1x4x12288xf32, #tpu.memory_space<vmem>>
    %dma_start3A_8 = tpu.memref_squeeze %dma_start3A_7 : memref<1x4x12288xf32, #tpu.memory_space<vmem>> -> memref<4x12288xf32, #tpu.memory_space<vmem>>
    %dma_start3A_9 = arith.constant 0 : i32
    %dma_start3A_10 = tpu.memref_slice %arg2[%add3A_4, %dma_start3A_9] : memref<1024x32768xf32, #tpu.memory_space<hbm>> -> memref<4x12288xf32, #tpu.memory_space<hbm>>
    %dma_start3A_11 = arith.constant 0 : i32
    %dma_start3A_12 = arith.constant 0 : i32
    %dma_start3A_13 = tpu.memref_slice %arg4[%dma_start3A, %dma_start3A_11, %dma_start3A_12] : memref<2x4x12288xf32, #tpu.memory_space<vmem>> -> memref<1x4x12288xf32, #tpu.memory_space<vmem>>
    %dma_start3A_14 = tpu.memref_squeeze %dma_start3A_13 : memref<1x4x12288xf32, #tpu.memory_space<vmem>> -> memref<4x12288xf32, #tpu.memory_space<vmem>>
    %dma_start3A_15 = arith.constant 0 : i32
    %dma_start3A_16 = tpu.memref_slice %arg2[%add3A_4, %dma_start3A_15] : memref<1024x32768xf32, #tpu.memory_space<hbm>> -> memref<4x12288xf32, #tpu.memory_space<hbm>>
    tpu.enqueue_dma source(%dma_start3A_16 : memref<4x12288xf32, #tpu.memory_space<hbm>>) target(%dma_start3A_14 : memref<4x12288xf32, #tpu.memory_space<vmem>>) target_semaphore(%arg5 : memref<!tpu.dma_semaphore, #tpu.memory_space<semaphore_mem>>)
    %add3A_17 = arith.constant 4 : i32
    %add3A_18 = arith.addi %mul3A_2, %add3A_17 : i32
    %dma_start3A_19 = arith.constant 1 : i32
    %dma_start3A_20 = arith.constant 0 : i32
    %dma_start3A_21 = arith.constant 0 : i32
    %dma_start3A_22 = tpu.memref_slice %arg4[%dma_start3A_19, %dma_start3A_20, %dma_start3A_21] : memref<2x4x12288xf32, #tpu.memory_space<vmem>> -> memref<1x4x12288xf32, #tpu.memory_space<vmem>>
    %dma_start3A_23 = tpu.memref_squeeze %dma_start3A_22 : memref<1x4x12288xf32, #tpu.memory_space<vmem>> -> memref<4x12288xf32, #tpu.memory_space<vmem>>
    %dma_start3A_24 = arith.constant 0 : i32
    %dma_start3A_25 = tpu.memref_slice %arg2[%add3A_18, %dma_start3A_24] : memref<1024x32768xf32, #tpu.memory_space<hbm>> -> memref<4x12288xf32, #tpu.memory_space<hbm>>
    %dma_start3A_26 = arith.constant 0 : i32
    %dma_start3A_27 = arith.constant 0 : i32
    %dma_start3A_28 = tpu.memref_slice %arg4[%dma_start3A_19, %dma_start3A_26, %dma_start3A_27] : memref<2x4x12288xf32, #tpu.memory_space<vmem>> -> memref<1x4x12288xf32, #tpu.memory_space<vmem>>
    %dma_start3A_29 = tpu.memref_squeeze %dma_start3A_28 : memref<1x4x12288xf32, #tpu.memory_space<vmem>> -> memref<4x12288xf32, #tpu.memory_space<vmem>>
    %dma_start3A_30 = arith.constant 0 : i32
    %dma_start3A_31 = tpu.memref_slice %arg2[%add3A_18, %dma_start3A_30] : memref<1024x32768xf32, #tpu.memory_space<hbm>> -> memref<4x12288xf32, #tpu.memory_space<hbm>>
    tpu.enqueue_dma source(%dma_start3A_31 : memref<4x12288xf32, #tpu.memory_space<hbm>>) target(%dma_start3A_29 : memref<4x12288xf32, #tpu.memory_space<vmem>>) target_semaphore(%arg5 : memref<!tpu.dma_semaphore, #tpu.memory_space<semaphore_mem>>)
    %add3A_32 = arith.constant 0 : i32
    %add3A_33 = arith.addi %mul3A_2, %add3A_32 : i32
    %dma_wait3A = arith.constant 0 : i32
    %dma_wait3A_34 = arith.constant 0 : i32
    %dma_wait3A_35 = arith.constant 0 : i32
    %dma_wait3A_36 = tpu.memref_slice %arg4[%dma_wait3A, %dma_wait3A_34, %dma_wait3A_35] : memref<2x4x12288xf32, #tpu.memory_space<vmem>> -> memref<1x4x12288xf32, #tpu.memory_space<vmem>>
    %dma_wait3A_37 = tpu.memref_squeeze %dma_wait3A_36 : memref<1x4x12288xf32, #tpu.memory_space<vmem>> -> memref<4x12288xf32, #tpu.memory_space<vmem>>
    %dma_wait3A_38 = arith.constant 0 : i32
    %dma_wait3A_39 = tpu.memref_slice %arg2[%add3A_33, %dma_wait3A_38] : memref<1024x32768xf32, #tpu.memory_space<hbm>> -> memref<4x12288xf32, #tpu.memory_space<hbm>>
    %dma_wait3A_40 = arith.constant 0 : i32
    %dma_wait3A_41 = arith.constant 0 : i32
    %dma_wait3A_42 = tpu.memref_slice %arg4[%dma_wait3A, %dma_wait3A_40, %dma_wait3A_41] : memref<2x4x12288xf32, #tpu.memory_space<vmem>> -> memref<1x4x12288xf32, #tpu.memory_space<vmem>>
    %dma_wait3A_43 = tpu.memref_squeeze %dma_wait3A_42 : memref<1x4x12288xf32, #tpu.memory_space<vmem>> -> memref<4x12288xf32, #tpu.memory_space<vmem>>
    %dma_wait3A_44 = arith.constant 0 : i32
    %dma_wait3A_45 = tpu.memref_slice %arg2[%add3A_33, %dma_wait3A_44] : memref<1024x32768xf32, #tpu.memory_space<hbm>> -> memref<4x12288xf32, #tpu.memory_space<hbm>>
    tpu.wait_dma2 semaphore(%arg5 : memref<!tpu.dma_semaphore, #tpu.memory_space<semaphore_mem>>) src(%dma_wait3A_45 : memref<4x12288xf32, #tpu.memory_space<hbm>>) dst(%dma_wait3A_43 : memref<4x12288xf32, #tpu.memory_space<vmem>>)
    %add3A_46 = arith.constant 0 : i32
    %add3A_47 = arith.addi %mul3A_2, %add3A_46 : i32
    %dma_start3A_48 = arith.constant 0 : i32
    %dma_start3A_49 = arith.constant 0 : i32
    %dma_start3A_50 = arith.constant 0 : i32
    %dma_start3A_51 = tpu.memref_slice %arg4[%dma_start3A_48, %dma_start3A_49, %dma_start3A_50] : memref<2x4x12288xf32, #tpu.memory_space<vmem>> -> memref<1x4x12288xf32, #tpu.memory_space<vmem>>
    %dma_start3A_52 = tpu.memref_squeeze %dma_start3A_51 : memref<1x4x12288xf32, #tpu.memory_space<vmem>> -> memref<4x12288xf32, #tpu.memory_space<vmem>>
    %dma_start3A_53 = arith.constant 0 : i32
    %dma_start3A_54 = tpu.memref_slice %arg3[%add3A_47, %dma_start3A_53] : memref<1024x12288xf32, #tpu.memory_space<hbm>> -> memref<4x12288xf32, #tpu.memory_space<hbm>>
    %dma_start3A_55 = arith.constant 0 : i32
    %dma_start3A_56 = tpu.memref_slice %arg3[%add3A_47, %dma_start3A_55] : memref<1024x12288xf32, #tpu.memory_space<hbm>> -> memref<4x12288xf32, #tpu.memory_space<hbm>>
    %dma_start3A_57 = arith.constant 0 : i32
    %dma_start3A_58 = arith.constant 0 : i32
    %dma_start3A_59 = tpu.memref_slice %arg4[%dma_start3A_48, %dma_start3A_57, %dma_start3A_58] : memref<2x4x12288xf32, #tpu.memory_space<vmem>> -> memref<1x4x12288xf32, #tpu.memory_space<vmem>>
    %dma_start3A_60 = tpu.memref_squeeze %dma_start3A_59 : memref<1x4x12288xf32, #tpu.memory_space<vmem>> -> memref<4x12288xf32, #tpu.memory_space<vmem>>
    tpu.enqueue_dma source(%dma_start3A_60 : memref<4x12288xf32, #tpu.memory_space<vmem>>) target(%dma_start3A_56 : memref<4x12288xf32, #tpu.memory_space<hbm>>) target_semaphore(%arg6 : memref<!tpu.dma_semaphore, #tpu.memory_space<semaphore_mem>>)
    %dma_wait3A_61 = arith.constant 0 : i32
    %dma_wait3A_62 = arith.constant 0 : i32
    %dma_wait3A_63 = arith.constant 0 : i32
    %dma_wait3A_64 = tpu.memref_slice %arg4[%dma_wait3A_61, %dma_wait3A_62, %dma_wait3A_63] : memref<2x4x12288xf32, #tpu.memory_space<vmem>> -> memref<1x4x12288xf32, #tpu.memory_space<vmem>>
    %dma_wait3A_65 = tpu.memref_squeeze %dma_wait3A_64 : memref<1x4x12288xf32, #tpu.memory_space<vmem>> -> memref<4x12288xf32, #tpu.memory_space<vmem>>
    %dma_wait3A_66 = arith.constant 0 : i32
    %dma_wait3A_67 = tpu.memref_slice %arg3[%add3A_47, %dma_wait3A_66] : memref<1024x12288xf32, #tpu.memory_space<hbm>> -> memref<4x12288xf32, #tpu.memory_space<hbm>>
    %dma_wait3A_68 = arith.constant 0 : i32
    %dma_wait3A_69 = tpu.memref_slice %arg3[%add3A_47, %dma_wait3A_68] : memref<1024x12288xf32, #tpu.memory_space<hbm>> -> memref<4x12288xf32, #tpu.memory_space<hbm>>
    %dma_wait3A_70 = arith.constant 0 : i32
    %dma_wait3A_71 = arith.constant 0 : i32
    %dma_wait3A_72 = tpu.memref_slice %arg4[%dma_wait3A_61, %dma_wait3A_70, %dma_wait3A_71] : memref<2x4x12288xf32, #tpu.memory_space<vmem>> -> memref<1x4x12288xf32, #tpu.memory_space<vmem>>
    %dma_wait3A_73 = tpu.memref_squeeze %dma_wait3A_72 : memref<1x4x12288xf32, #tpu.memory_space<vmem>> -> memref<4x12288xf32, #tpu.memory_space<vmem>>
    tpu.wait_dma2 semaphore(%arg6 : memref<!tpu.dma_semaphore, #tpu.memory_space<semaphore_mem>>) src(%dma_wait3A_73 : memref<4x12288xf32, #tpu.memory_space<vmem>>) dst(%dma_wait3A_69 : memref<4x12288xf32, #tpu.memory_space<hbm>>)
    %add3A_74 = arith.constant 8 : i32
    %add3A_75 = arith.addi %mul3A_2, %add3A_74 : i32
    %dma_start3A_76 = arith.constant 0 : i32
    %dma_start3A_77 = arith.constant 0 : i32
    %dma_start3A_78 = arith.constant 0 : i32
    %dma_start3A_79 = tpu.memref_slice %arg4[%dma_start3A_76, %dma_start3A_77, %dma_start3A_78] : memref<2x4x12288xf32, #tpu.memory_space<vmem>> -> memref<1x4x12288xf32, #tpu.memory_space<vmem>>
    %dma_start3A_80 = tpu.memref_squeeze %dma_start3A_79 : memref<1x4x12288xf32, #tpu.memory_space<vmem>> -> memref<4x12288xf32, #tpu.memory_space<vmem>>
    %dma_start3A_81 = arith.constant 0 : i32
    %dma_start3A_82 = tpu.memref_slice %arg2[%add3A_75, %dma_start3A_81] : memref<1024x32768xf32, #tpu.memory_space<hbm>> -> memref<4x12288xf32, #tpu.memory_space<hbm>>
    %dma_start3A_83 = arith.constant 0 : i32
    %dma_start3A_84 = arith.constant 0 : i32
    %dma_start3A_85 = tpu.memref_slice %arg4[%dma_start3A_76, %dma_start3A_83, %dma_start3A_84] : memref<2x4x12288xf32, #tpu.memory_space<vmem>> -> memref<1x4x12288xf32, #tpu.memory_space<vmem>>
    %dma_start3A_86 = tpu.memref_squeeze %dma_start3A_85 : memref<1x4x12288xf32, #tpu.memory_space<vmem>> -> memref<4x12288xf32, #tpu.memory_space<vmem>>
    %dma_start3A_87 = arith.constant 0 : i32
    %dma_start3A_88 = tpu.memref_slice %arg2[%add3A_75, %dma_start3A_87] : memref<1024x32768xf32, #tpu.memory_space<hbm>> -> memref<4x12288xf32, #tpu.memory_space<hbm>>
    tpu.enqueue_dma source(%dma_start3A_88 : memref<4x12288xf32, #tpu.memory_space<hbm>>) target(%dma_start3A_86 : memref<4x12288xf32, #tpu.memory_space<vmem>>) target_semaphore(%arg5 : memref<!tpu.dma_semaphore, #tpu.memory_space<semaphore_mem>>)
    %add3A_89 = arith.constant 4 : i32
    %add3A_90 = arith.addi %mul3A_2, %add3A_89 : i32
    %dma_wait3A_91 = arith.constant 1 : i32
    %dma_wait3A_92 = arith.constant 0 : i32
    %dma_wait3A_93 = arith.constant 0 : i32
    %dma_wait3A_94 = tpu.memref_slice %arg4[%dma_wait3A_91, %dma_wait3A_92, %dma_wait3A_93] : memref<2x4x12288xf32, #tpu.memory_space<vmem>> -> memref<1x4x12288xf32, #tpu.memory_space<vmem>>
    %dma_wait3A_95 = tpu.memref_squeeze %dma_wait3A_94 : memref<1x4x12288xf32, #tpu.memory_space<vmem>> -> memref<4x12288xf32, #tpu.memory_space<vmem>>
    %dma_wait3A_96 = arith.constant 0 : i32
    %dma_wait3A_97 = tpu.memref_slice %arg2[%add3A_90, %dma_wait3A_96] : memref<1024x32768xf32, #tpu.memory_space<hbm>> -> memref<4x12288xf32, #tpu.memory_space<hbm>>
    %dma_wait3A_98 = arith.constant 0 : i32
    %dma_wait3A_99 = arith.constant 0 : i32
    %dma_wait3A_100 = tpu.memref_slice %arg4[%dma_wait3A_91, %dma_wait3A_98, %dma_wait3A_99] : memref<2x4x12288xf32, #tpu.memory_space<vmem>> -> memref<1x4x12288xf32, #tpu.memory_space<vmem>>
    %dma_wait3A_101 = tpu.memref_squeeze %dma_wait3A_100 : memref<1x4x12288xf32, #tpu.memory_space<vmem>> -> memref<4x12288xf32, #tpu.memory_space<vmem>>
    %dma_wait3A_102 = arith.constant 0 : i32
    %dma_wait3A_103 = tpu.memref_slice %arg2[%add3A_90, %dma_wait3A_102] : memref<1024x32768xf32, #tpu.memory_space<hbm>> -> memref<4x12288xf32, #tpu.memory_space<hbm>>
    tpu.wait_dma2 semaphore(%arg5 : memref<!tpu.dma_semaphore, #tpu.memory_space<semaphore_mem>>) src(%dma_wait3A_103 : memref<4x12288xf32, #tpu.memory_space<hbm>>) dst(%dma_wait3A_101 : memref<4x12288xf32, #tpu.memory_space<vmem>>)
    %add3A_104 = arith.constant 4 : i32
    %add3A_105 = arith.addi %mul3A_2, %add3A_104 : i32
    %dma_start3A_106 = arith.constant 1 : i32
    %dma_start3A_107 = arith.constant 0 : i32
    %dma_start3A_108 = arith.constant 0 : i32
    %dma_start3A_109 = tpu.memref_slice %arg4[%dma_start3A_106, %dma_start3A_107, %dma_start3A_108] : memref<2x4x12288xf32, #tpu.memory_space<vmem>> -> memref<1x4x12288xf32, #tpu.memory_space<vmem>>
    %dma_start3A_110 = tpu.memref_squeeze %dma_start3A_109 : memref<1x4x12288xf32, #tpu.memory_space<vmem>> -> memref<4x12288xf32, #tpu.memory_space<vmem>>
    %dma_start3A_111 = arith.constant 0 : i32
    %dma_start3A_112 = tpu.memref_slice %arg3[%add3A_105, %dma_start3A_111] : memref<1024x12288xf32, #tpu.memory_space<hbm>> -> memref<4x12288xf32, #tpu.memory_space<hbm>>
    %dma_start3A_113 = arith.constant 0 : i32
    %dma_start3A_114 = tpu.memref_slice %arg3[%add3A_105, %dma_start3A_113] : memref<1024x12288xf32, #tpu.memory_space<hbm>> -> memref<4x12288xf32, #tpu.memory_space<hbm>>
    %dma_start3A_115 = arith.constant 0 : i32
    %dma_start3A_116 = arith.constant 0 : i32
    %dma_start3A_117 = tpu.memref_slice %arg4[%dma_start3A_106, %dma_start3A_115, %dma_start3A_116] : memref<2x4x12288xf32, #tpu.memory_space<vmem>> -> memref<1x4x12288xf32, #tpu.memory_space<vmem>>
    %dma_start3A_118 = tpu.memref_squeeze %dma_start3A_117 : memref<1x4x12288xf32, #tpu.memory_space<vmem>> -> memref<4x12288xf32, #tpu.memory_space<vmem>>
    tpu.enqueue_dma source(%dma_start3A_118 : memref<4x12288xf32, #tpu.memory_space<vmem>>) target(%dma_start3A_114 : memref<4x12288xf32, #tpu.memory_space<hbm>>) target_semaphore(%arg6 : memref<!tpu.dma_semaphore, #tpu.memory_space<semaphore_mem>>)
    %dma_wait3A_119 = arith.constant 1 : i32
    %dma_wait3A_120 = arith.constant 0 : i32
    %dma_wait3A_121 = arith.constant 0 : i32
    %dma_wait3A_122 = tpu.memref_slice %arg4[%dma_wait3A_119, %dma_wait3A_120, %dma_wait3A_121] : memref<2x4x12288xf32, #tpu.memory_space<vmem>> -> memref<1x4x12288xf32, #tpu.memory_space<vmem>>
    %dma_wait3A_123 = tpu.memref_squeeze %dma_wait3A_122 : memref<1x4x12288xf32, #tpu.memory_space<vmem>> -> memref<4x12288xf32, #tpu.memory_space<vmem>>
    %dma_wait3A_124 = arith.constant 0 : i32
    %dma_wait3A_125 = tpu.memref_slice %arg3[%add3A_105, %dma_wait3A_124] : memref<1024x12288xf32, #tpu.memory_space<hbm>> -> memref<4x12288xf32, #tpu.memory_space<hbm>>
    %dma_wait3A_126 = arith.constant 0 : i32
    %dma_wait3A_127 = tpu.memref_slice %arg3[%add3A_105, %dma_wait3A_126] : memref<1024x12288xf32, #tpu.memory_space<hbm>> -> memref<4x12288xf32, #tpu.memory_space<hbm>>
    %dma_wait3A_128 = arith.constant 0 : i32
    %dma_wait3A_129 = arith.constant 0 : i32
    %dma_wait3A_130 = tpu.memref_slice %arg4[%dma_wait3A_119, %dma_wait3A_128, %dma_wait3A_129] : memref<2x4x12288xf32, #tpu.memory_space<vmem>> -> memref<1x4x12288xf32, #tpu.memory_space<vmem>>
    %dma_wait3A_131 = tpu.memref_squeeze %dma_wait3A_130 : memref<1x4x12288xf32, #tpu.memory_space<vmem>> -> memref<4x12288xf32, #tpu.memory_space<vmem>>
    tpu.wait_dma2 semaphore(%arg6 : memref<!tpu.dma_semaphore, #tpu.memory_space<semaphore_mem>>) src(%dma_wait3A_131 : memref<4x12288xf32, #tpu.memory_space<vmem>>) dst(%dma_wait3A_127 : memref<4x12288xf32, #tpu.memory_space<hbm>>)
    %add3A_132 = arith.constant 12 : i32
    %add3A_133 = arith.addi %mul3A_2, %add3A_132 : i32
    %dma_start3A_134 = arith.constant 1 : i32
    %dma_start3A_135 = arith.constant 0 : i32
    %dma_start3A_136 = arith.constant 0 : i32
    %dma_start3A_137 = tpu.memref_slice %arg4[%dma_start3A_134, %dma_start3A_135, %dma_start3A_136] : memref<2x4x12288xf32, #tpu.memory_space<vmem>> -> memref<1x4x12288xf32, #tpu.memory_space<vmem>>
    %dma_start3A_138 = tpu.memref_squeeze %dma_start3A_137 : memref<1x4x12288xf32, #tpu.memory_space<vmem>> -> memref<4x12288xf32, #tpu.memory_space<vmem>>
    %dma_start3A_139 = arith.constant 0 : i32
    %dma_start3A_140 = tpu.memref_slice %arg2[%add3A_133, %dma_start3A_139] : memref<1024x32768xf32, #tpu.memory_space<hbm>> -> memref<4x12288xf32, #tpu.memory_space<hbm>>
    %dma_start3A_141 = arith.constant 0 : i32
    %dma_start3A_142 = arith.constant 0 : i32
    %dma_start3A_143 = tpu.memref_slice %arg4[%dma_start3A_134, %dma_start3A_141, %dma_start3A_142] : memref<2x4x12288xf32, #tpu.memory_space<vmem>> -> memref<1x4x12288xf32, #tpu.memory_space<vmem>>
    %dma_start3A_144 = tpu.memref_squeeze %dma_start3A_143 : memref<1x4x12288xf32, #tpu.memory_space<vmem>> -> memref<4x12288xf32, #tpu.memory_space<vmem>>
    %dma_start3A_145 = arith.constant 0 : i32
    %dma_start3A_146 = tpu.memref_slice %arg2[%add3A_133, %dma_start3A_145] : memref<1024x32768xf32, #tpu.memory_space<hbm>> -> memref<4x12288xf32, #tpu.memory_space<hbm>>
    tpu.enqueue_dma source(%dma_start3A_146 : memref<4x12288xf32, #tpu.memory_space<hbm>>) target(%dma_start3A_144 : memref<4x12288xf32, #tpu.memory_space<vmem>>) target_semaphore(%arg5 : memref<!tpu.dma_semaphore, #tpu.memory_space<semaphore_mem>>)
    %add3A_147 = arith.constant 8 : i32
    %add3A_148 = arith.addi %mul3A_2, %add3A_147 : i32
    %dma_wait3A_149 = arith.constant 0 : i32
    %dma_wait3A_150 = arith.constant 0 : i32
    %dma_wait3A_151 = arith.constant 0 : i32
    %dma_wait3A_152 = tpu.memref_slice %arg4[%dma_wait3A_149, %dma_wait3A_150, %dma_wait3A_151] : memref<2x4x12288xf32, #tpu.memory_space<vmem>> -> memref<1x4x12288xf32, #tpu.memory_space<vmem>>
    %dma_wait3A_153 = tpu.memref_squeeze %dma_wait3A_152 : memref<1x4x12288xf32, #tpu.memory_space<vmem>> -> memref<4x12288xf32, #tpu.memory_space<vmem>>
    %dma_wait3A_154 = arith.constant 0 : i32
    %dma_wait3A_155 = tpu.memref_slice %arg2[%add3A_148, %dma_wait3A_154] : memref<1024x32768xf32, #tpu.memory_space<hbm>> -> memref<4x12288xf32, #tpu.memory_space<hbm>>
    %dma_wait3A_156 = arith.constant 0 : i32
    %dma_wait3A_157 = arith.constant 0 : i32
    %dma_wait3A_158 = tpu.memref_slice %arg4[%dma_wait3A_149, %dma_wait3A_156, %dma_wait3A_157] : memref<2x4x12288xf32, #tpu.memory_space<vmem>> -> memref<1x4x12288xf32, #tpu.memory_space<vmem>>
    %dma_wait3A_159 = tpu.memref_squeeze %dma_wait3A_158 : memref<1x4x12288xf32, #tpu.memory_space<vmem>> -> memref<4x12288xf32, #tpu.memory_space<vmem>>
    %dma_wait3A_160 = arith.constant 0 : i32
    %dma_wait3A_161 = tpu.memref_slice %arg2[%add3A_148, %dma_wait3A_160] : memref<1024x32768xf32, #tpu.memory_space<hbm>> -> memref<4x12288xf32, #tpu.memory_space<hbm>>
    tpu.wait_dma2 semaphore(%arg5 : memref<!tpu.dma_semaphore, #tpu.memory_space<semaphore_mem>>) src(%dma_wait3A_161 : memref<4x12288xf32, #tpu.memory_space<hbm>>) dst(%dma_wait3A_159 : memref<4x12288xf32, #tpu.memory_space<vmem>>)
    %add3A_162 = arith.constant 8 : i32
    %add3A_163 = arith.addi %mul3A_2, %add3A_162 : i32
    %dma_start3A_164 = arith.constant 0 : i32
    %dma_start3A_165 = arith.constant 0 : i32
    %dma_start3A_166 = arith.constant 0 : i32
    %dma_start3A_167 = tpu.memref_slice %arg4[%dma_start3A_164, %dma_start3A_165, %dma_start3A_166] : memref<2x4x12288xf32, #tpu.memory_space<vmem>> -> memref<1x4x12288xf32, #tpu.memory_space<vmem>>
    %dma_start3A_168 = tpu.memref_squeeze %dma_start3A_167 : memref<1x4x12288xf32, #tpu.memory_space<vmem>> -> memref<4x12288xf32, #tpu.memory_space<vmem>>
    %dma_start3A_169 = arith.constant 0 : i32
    %dma_start3A_170 = tpu.memref_slice %arg3[%add3A_163, %dma_start3A_169] : memref<1024x12288xf32, #tpu.memory_space<hbm>> -> memref<4x12288xf32, #tpu.memory_space<hbm>>
    %dma_start3A_171 = arith.constant 0 : i32
    %dma_start3A_172 = tpu.memref_slice %arg3[%add3A_163, %dma_start3A_171] : memref<1024x12288xf32, #tpu.memory_space<hbm>> -> memref<4x12288xf32, #tpu.memory_space<hbm>>
    %dma_start3A_173 = arith.constant 0 : i32
    %dma_start3A_174 = arith.constant 0 : i32
    %dma_start3A_175 = tpu.memref_slice %arg4[%dma_start3A_164, %dma_start3A_173, %dma_start3A_174] : memref<2x4x12288xf32, #tpu.memory_space<vmem>> -> memref<1x4x12288xf32, #tpu.memory_space<vmem>>
    %dma_start3A_176 = tpu.memref_squeeze %dma_start3A_175 : memref<1x4x12288xf32, #tpu.memory_space<vmem>> -> memref<4x12288xf32, #tpu.memory_space<vmem>>
    tpu.enqueue_dma source(%dma_start3A_176 : memref<4x12288xf32, #tpu.memory_space<vmem>>) target(%dma_start3A_172 : memref<4x12288xf32, #tpu.memory_space<hbm>>) target_semaphore(%arg6 : memref<!tpu.dma_semaphore, #tpu.memory_space<semaphore_mem>>)
    %dma_wait3A_177 = arith.constant 0 : i32
    %dma_wait3A_178 = arith.constant 0 : i32
    %dma_wait3A_179 = arith.constant 0 : i32
    %dma_wait3A_180 = tpu.memref_slice %arg4[%dma_wait3A_177, %dma_wait3A_178, %dma_wait3A_179] : memref<2x4x12288xf32, #tpu.memory_space<vmem>> -> memref<1x4x12288xf32, #tpu.memory_space<vmem>>
    %dma_wait3A_181 = tpu.memref_squeeze %dma_wait3A_180 : memref<1x4x12288xf32, #tpu.memory_space<vmem>> -> memref<4x12288xf32, #tpu.memory_space<vmem>>
    %dma_wait3A_182 = arith.constant 0 : i32
    %dma_wait3A_183 = tpu.memref_slice %arg3[%add3A_163, %dma_wait3A_182] : memref<1024x12288xf32, #tpu.memory_space<hbm>> -> memref<4x12288xf32, #tpu.memory_space<hbm>>
    %dma_wait3A_184 = arith.constant 0 : i32
    %dma_wait3A_185 = tpu.memref_slice %arg3[%add3A_163, %dma_wait3A_184] : memref<1024x12288xf32, #tpu.memory_space<hbm>> -> memref<4x12288xf32, #tpu.memory_space<hbm>>
    %dma_wait3A_186 = arith.constant 0 : i32
    %dma_wait3A_187 = arith.constant 0 : i32
    %dma_wait3A_188 = tpu.memref_slice %arg4[%dma_wait3A_177, %dma_wait3A_186, %dma_wait3A_187] : memref<2x4x12288xf32, #tpu.memory_space<vmem>> -> memref<1x4x12288xf32, #tpu.memory_space<vmem>>
    %dma_wait3A_189 = tpu.memref_squeeze %dma_wait3A_188 : memref<1x4x12288xf32, #tpu.memory_space<vmem>> -> memref<4x12288xf32, #tpu.memory_space<vmem>>
    tpu.wait_dma2 semaphore(%arg6 : memref<!tpu.dma_semaphore, #tpu.memory_space<semaphore_mem>>) src(%dma_wait3A_189 : memref<4x12288xf32, #tpu.memory_space<vmem>>) dst(%dma_wait3A_185 : memref<4x12288xf32, #tpu.memory_space<hbm>>)
    %add3A_190 = arith.constant 16 : i32
    %add3A_191 = arith.addi %mul3A_2, %add3A_190 : i32
    %dma_start3A_192 = arith.constant 0 : i32
    %dma_start3A_193 = arith.constant 0 : i32
    %dma_start3A_194 = arith.constant 0 : i32
    %dma_start3A_195 = tpu.memref_slice %arg4[%dma_start3A_192, %dma_start3A_193, %dma_start3A_194] : memref<2x4x12288xf32, #tpu.memory_space<vmem>> -> memref<1x4x12288xf32, #tpu.memory_space<vmem>>
    %dma_start3A_196 = tpu.memref_squeeze %dma_start3A_195 : memref<1x4x12288xf32, #tpu.memory_space<vmem>> -> memref<4x12288xf32, #tpu.memory_space<vmem>>
    %dma_start3A_197 = arith.constant 0 : i32
    %dma_start3A_198 = tpu.memref_slice %arg2[%add3A_191, %dma_start3A_197] : memref<1024x32768xf32, #tpu.memory_space<hbm>> -> memref<4x12288xf32, #tpu.memory_space<hbm>>
    %dma_start3A_199 = arith.constant 0 : i32
    %dma_start3A_200 = arith.constant 0 : i32
    %dma_start3A_201 = tpu.memref_slice %arg4[%dma_start3A_192, %dma_start3A_199, %dma_start3A_200] : memref<2x4x12288xf32, #tpu.memory_space<vmem>> -> memref<1x4x12288xf32, #tpu.memory_space<vmem>>
    %dma_start3A_202 = tpu.memref_squeeze %dma_start3A_201 : memref<1x4x12288xf32, #tpu.memory_space<vmem>> -> memref<4x12288xf32, #tpu.memory_space<vmem>>
    %dma_start3A_203 = arith.constant 0 : i32
    %dma_start3A_204 = tpu.memref_slice %arg2[%add3A_191, %dma_start3A_203] : memref<1024x32768xf32, #tpu.memory_space<hbm>> -> memref<4x12288xf32, #tpu.memory_space<hbm>>
    tpu.enqueue_dma source(%dma_start3A_204 : memref<4x12288xf32, #tpu.memory_space<hbm>>) target(%dma_start3A_202 : memref<4x12288xf32, #tpu.memory_space<vmem>>) target_semaphore(%arg5 : memref<!tpu.dma_semaphore, #tpu.memory_space<semaphore_mem>>)
    %add3A_205 = arith.constant 12 : i32
    %add3A_206 = arith.addi %mul3A_2, %add3A_205 : i32
    %dma_wait3A_207 = arith.constant 1 : i32
    %dma_wait3A_208 = arith.constant 0 : i32
    %dma_wait3A_209 = arith.constant 0 : i32
    %dma_wait3A_210 = tpu.memref_slice %arg4[%dma_wait3A_207, %dma_wait3A_208, %dma_wait3A_209] : memref<2x4x12288xf32, #tpu.memory_space<vmem>> -> memref<1x4x12288xf32, #tpu.memory_space<vmem>>
    %dma_wait3A_211 = tpu.memref_squeeze %dma_wait3A_210 : memref<1x4x12288xf32, #tpu.memory_space<vmem>> -> memref<4x12288xf32, #tpu.memory_space<vmem>>
    %dma_wait3A_212 = arith.constant 0 : i32
    %dma_wait3A_213 = tpu.memref_slice %arg2[%add3A_206, %dma_wait3A_212] : memref<1024x32768xf32, #tpu.memory_space<hbm>> -> memref<4x12288xf32, #tpu.memory_space<hbm>>
    %dma_wait3A_214 = arith.constant 0 : i32
    %dma_wait3A_215 = arith.constant 0 : i32
    %dma_wait3A_216 = tpu.memref_slice %arg4[%dma_wait3A_207, %dma_wait3A_214, %dma_wait3A_215] : memref<2x4x12288xf32, #tpu.memory_space<vmem>> -> memref<1x4x12288xf32, #tpu.memory_space<vmem>>
    %dma_wait3A_217 = tpu.memref_squeeze %dma_wait3A_216 : memref<1x4x12288xf32, #tpu.memory_space<vmem>> -> memref<4x12288xf32, #tpu.memory_space<vmem>>
    %dma_wait3A_218 = arith.constant 0 : i32
    %dma_wait3A_219 = tpu.memref_slice %arg2[%add3A_206, %dma_wait3A_218] : memref<1024x32768xf32, #tpu.memory_space<hbm>> -> memref<4x12288xf32, #tpu.memory_space<hbm>>
    tpu.wait_dma2 semaphore(%arg5 : memref<!tpu.dma_semaphore, #tpu.memory_space<semaphore_mem>>) src(%dma_wait3A_219 : memref<4x12288xf32, #tpu.memory_space<hbm>>) dst(%dma_wait3A_217 : memref<4x12288xf32, #tpu.memory_space<vmem>>)
    %add3A_220 = arith.constant 12 : i32
    %add3A_221 = arith.addi %mul3A_2, %add3A_220 : i32
    %dma_start3A_222 = arith.constant 1 : i32
    %dma_start3A_223 = arith.constant 0 : i32
    %dma_start3A_224 = arith.constant 0 : i32
    %dma_start3A_225 = tpu.memref_slice %arg4[%dma_start3A_222, %dma_start3A_223, %dma_start3A_224] : memref<2x4x12288xf32, #tpu.memory_space<vmem>> -> memref<1x4x12288xf32, #tpu.memory_space<vmem>>
    %dma_start3A_226 = tpu.memref_squeeze %dma_start3A_225 : memref<1x4x12288xf32, #tpu.memory_space<vmem>> -> memref<4x12288xf32, #tpu.memory_space<vmem>>
    %dma_start3A_227 = arith.constant 0 : i32
    %dma_start3A_228 = tpu.memref_slice %arg3[%add3A_221, %dma_start3A_227] : memref<1024x12288xf32, #tpu.memory_space<hbm>> -> memref<4x12288xf32, #tpu.memory_space<hbm>>
    %dma_start3A_229 = arith.constant 0 : i32
    %dma_start3A_230 = tpu.memref_slice %arg3[%add3A_221, %dma_start3A_229] : memref<1024x12288xf32, #tpu.memory_space<hbm>> -> memref<4x12288xf32, #tpu.memory_space<hbm>>
    %dma_start3A_231 = arith.constant 0 : i32
    %dma_start3A_232 = arith.constant 0 : i32
    %dma_start3A_233 = tpu.memref_slice %arg4[%dma_start3A_222, %dma_start3A_231, %dma_start3A_232] : memref<2x4x12288xf32, #tpu.memory_space<vmem>> -> memref<1x4x12288xf32, #tpu.memory_space<vmem>>
    %dma_start3A_234 = tpu.memref_squeeze %dma_start3A_233 : memref<1x4x12288xf32, #tpu.memory_space<vmem>> -> memref<4x12288xf32, #tpu.memory_space<vmem>>
    tpu.enqueue_dma source(%dma_start3A_234 : memref<4x12288xf32, #tpu.memory_space<vmem>>) target(%dma_start3A_230 : memref<4x12288xf32, #tpu.memory_space<hbm>>) target_semaphore(%arg6 : memref<!tpu.dma_semaphore, #tpu.memory_space<semaphore_mem>>)
    %dma_wait3A_235 = arith.constant 1 : i32
    %dma_wait3A_236 = arith.constant 0 : i32
    %dma_wait3A_237 = arith.constant 0 : i32
    %dma_wait3A_238 = tpu.memref_slice %arg4[%dma_wait3A_235, %dma_wait3A_236, %dma_wait3A_237] : memref<2x4x12288xf32, #tpu.memory_space<vmem>> -> memref<1x4x12288xf32, #tpu.memory_space<vmem>>
    %dma_wait3A_239 = tpu.memref_squeeze %dma_wait3A_238 : memref<1x4x12288xf32, #tpu.memory_space<vmem>> -> memref<4x12288xf32, #tpu.memory_space<vmem>>
    %dma_wait3A_240 = arith.constant 0 : i32
    %dma_wait3A_241 = tpu.memref_slice %arg3[%add3A_221, %dma_wait3A_240] : memref<1024x12288xf32, #tpu.memory_space<hbm>> -> memref<4x12288xf32, #tpu.memory_space<hbm>>
    %dma_wait3A_242 = arith.constant 0 : i32
    %dma_wait3A_243 = tpu.memref_slice %arg3[%add3A_221, %dma_wait3A_242] : memref<1024x12288xf32, #tpu.memory_space<hbm>> -> memref<4x12288xf32, #tpu.memory_space<hbm>>
    %dma_wait3A_244 = arith.constant 0 : i32
    %dma_wait3A_245 = arith.constant 0 : i32
    %dma_wait3A_246 = tpu.memref_slice %arg4[%dma_wait3A_235, %dma_wait3A_244, %dma_wait3A_245] : memref<2x4x12288xf32, #tpu.memory_space<vmem>> -> memref<1x4x12288xf32, #tpu.memory_space<vmem>>
    %dma_wait3A_247 = tpu.memref_squeeze %dma_wait3A_246 : memref<1x4x12288xf32, #tpu.memory_space<vmem>> -> memref<4x12288xf32, #tpu.memory_space<vmem>>
    tpu.wait_dma2 semaphore(%arg6 : memref<!tpu.dma_semaphore, #tpu.memory_space<semaphore_mem>>) src(%dma_wait3A_247 : memref<4x12288xf32, #tpu.memory_space<vmem>>) dst(%dma_wait3A_243 : memref<4x12288xf32, #tpu.memory_space<hbm>>)
    %add3A_248 = arith.constant 20 : i32
    %add3A_249 = arith.addi %mul3A_2, %add3A_248 : i32
    %dma_start3A_250 = arith.constant 1 : i32
    %dma_start3A_251 = arith.constant 0 : i32
    %dma_start3A_252 = arith.constant 0 : i32
    %dma_start3A_253 = tpu.memref_slice %arg4[%dma_start3A_250, %dma_start3A_251, %dma_start3A_252] : memref<2x4x12288xf32, #tpu.memory_space<vmem>> -> memref<1x4x12288xf32, #tpu.memory_space<vmem>>
    %dma_start3A_254 = tpu.memref_squeeze %dma_start3A_253 : memref<1x4x12288xf32, #tpu.memory_space<vmem>> -> memref<4x12288xf32, #tpu.memory_space<vmem>>
    %dma_start3A_255 = arith.constant 0 : i32
    %dma_start3A_256 = tpu.memref_slice %arg2[%add3A_249, %dma_start3A_255] : memref<1024x32768xf32, #tpu.memory_space<hbm>> -> memref<4x12288xf32, #tpu.memory_space<hbm>>
    %dma_start3A_257 = arith.constant 0 : i32
    %dma_start3A_258 = arith.constant 0 : i32
    %dma_start3A_259 = tpu.memref_slice %arg4[%dma_start3A_250, %dma_start3A_257, %dma_start3A_258] : memref<2x4x12288xf32, #tpu.memory_space<vmem>> -> memref<1x4x12288xf32, #tpu.memory_space<vmem>>
    %dma_start3A_260 = tpu.memref_squeeze %dma_start3A_259 : memref<1x4x12288xf32, #tpu.memory_space<vmem>> -> memref<4x12288xf32, #tpu.memory_space<vmem>>
    %dma_start3A_261 = arith.constant 0 : i32
    %dma_start3A_262 = tpu.memref_slice %arg2[%add3A_249, %dma_start3A_261] : memref<1024x32768xf32, #tpu.memory_space<hbm>> -> memref<4x12288xf32, #tpu.memory_space<hbm>>
    tpu.enqueue_dma source(%dma_start3A_262 : memref<4x12288xf32, #tpu.memory_space<hbm>>) target(%dma_start3A_260 : memref<4x12288xf32, #tpu.memory_space<vmem>>) target_semaphore(%arg5 : memref<!tpu.dma_semaphore, #tpu.memory_space<semaphore_mem>>)
    %add3A_263 = arith.constant 16 : i32
    %add3A_264 = arith.addi %mul3A_2, %add3A_263 : i32
    %dma_wait3A_265 = arith.constant 0 : i32
    %dma_wait3A_266 = arith.constant 0 : i32
    %dma_wait3A_267 = arith.constant 0 : i32
    %dma_wait3A_268 = tpu.memref_slice %arg4[%dma_wait3A_265, %dma_wait3A_266, %dma_wait3A_267] : memref<2x4x12288xf32, #tpu.memory_space<vmem>> -> memref<1x4x12288xf32, #tpu.memory_space<vmem>>
    %dma_wait3A_269 = tpu.memref_squeeze %dma_wait3A_268 : memref<1x4x12288xf32, #tpu.memory_space<vmem>> -> memref<4x12288xf32, #tpu.memory_space<vmem>>
    %dma_wait3A_270 = arith.constant 0 : i32
    %dma_wait3A_271 = tpu.memref_slice %arg2[%add3A_264, %dma_wait3A_270] : memref<1024x32768xf32, #tpu.memory_space<hbm>> -> memref<4x12288xf32, #tpu.memory_space<hbm>>
    %dma_wait3A_272 = arith.constant 0 : i32
    %dma_wait3A_273 = arith.constant 0 : i32
    %dma_wait3A_274 = tpu.memref_slice %arg4[%dma_wait3A_265, %dma_wait3A_272, %dma_wait3A_273] : memref<2x4x12288xf32, #tpu.memory_space<vmem>> -> memref<1x4x12288xf32, #tpu.memory_space<vmem>>
    %dma_wait3A_275 = tpu.memref_squeeze %dma_wait3A_274 : memref<1x4x12288xf32, #tpu.memory_space<vmem>> -> memref<4x12288xf32, #tpu.memory_space<vmem>>
    %dma_wait3A_276 = arith.constant 0 : i32
    %dma_wait3A_277 = tpu.memref_slice %arg2[%add3A_264, %dma_wait3A_276] : memref<1024x32768xf32, #tpu.memory_space<hbm>> -> memref<4x12288xf32, #tpu.memory_space<hbm>>
    tpu.wait_dma2 semaphore(%arg5 : memref<!tpu.dma_semaphore, #tpu.memory_space<semaphore_mem>>) src(%dma_wait3A_277 : memref<4x12288xf32, #tpu.memory_space<hbm>>) dst(%dma_wait3A_275 : memref<4x12288xf32, #tpu.memory_space<vmem>>)
    %add3A_278 = arith.constant 16 : i32
    %add3A_279 = arith.addi %mul3A_2, %add3A_278 : i32
    %dma_start3A_280 = arith.constant 0 : i32
    %dma_start3A_281 = arith.constant 0 : i32
    %dma_start3A_282 = arith.constant 0 : i32
    %dma_start3A_283 = tpu.memref_slice %arg4[%dma_start3A_280, %dma_start3A_281, %dma_start3A_282] : memref<2x4x12288xf32, #tpu.memory_space<vmem>> -> memref<1x4x12288xf32, #tpu.memory_space<vmem>>
    %dma_start3A_284 = tpu.memref_squeeze %dma_start3A_283 : memref<1x4x12288xf32, #tpu.memory_space<vmem>> -> memref<4x12288xf32, #tpu.memory_space<vmem>>
    %dma_start3A_285 = arith.constant 0 : i32
    %dma_start3A_286 = tpu.memref_slice %arg3[%add3A_279, %dma_start3A_285] : memref<1024x12288xf32, #tpu.memory_space<hbm>> -> memref<4x12288xf32, #tpu.memory_space<hbm>>
    %dma_start3A_287 = arith.constant 0 : i32
    %dma_start3A_288 = tpu.memref_slice %arg3[%add3A_279, %dma_start3A_287] : memref<1024x12288xf32, #tpu.memory_space<hbm>> -> memref<4x12288xf32, #tpu.memory_space<hbm>>
    %dma_start3A_289 = arith.constant 0 : i32
    %dma_start3A_290 = arith.constant 0 : i32
    %dma_start3A_291 = tpu.memref_slice %arg4[%dma_start3A_280, %dma_start3A_289, %dma_start3A_290] : memref<2x4x12288xf32, #tpu.memory_space<vmem>> -> memref<1x4x12288xf32, #tpu.memory_space<vmem>>
    %dma_start3A_292 = tpu.memref_squeeze %dma_start3A_291 : memref<1x4x12288xf32, #tpu.memory_space<vmem>> -> memref<4x12288xf32, #tpu.memory_space<vmem>>
    tpu.enqueue_dma source(%dma_start3A_292 : memref<4x12288xf32, #tpu.memory_space<vmem>>) target(%dma_start3A_288 : memref<4x12288xf32, #tpu.memory_space<hbm>>) target_semaphore(%arg6 : memref<!tpu.dma_semaphore, #tpu.memory_space<semaphore_mem>>)
    %dma_wait3A_293 = arith.constant 0 : i32
    %dma_wait3A_294 = arith.constant 0 : i32
    %dma_wait3A_295 = arith.constant 0 : i32
    %dma_wait3A_296 = tpu.memref_slice %arg4[%dma_wait3A_293, %dma_wait3A_294, %dma_wait3A_295] : memref<2x4x12288xf32, #tpu.memory_space<vmem>> -> memref<1x4x12288xf32, #tpu.memory_space<vmem>>
    %dma_wait3A_297 = tpu.memref_squeeze %dma_wait3A_296 : memref<1x4x12288xf32, #tpu.memory_space<vmem>> -> memref<4x12288xf32, #tpu.memory_space<vmem>>
    %dma_wait3A_298 = arith.constant 0 : i32
    %dma_wait3A_299 = tpu.memref_slice %arg3[%add3A_279, %dma_wait3A_298] : memref<1024x12288xf32, #tpu.memory_space<hbm>> -> memref<4x12288xf32, #tpu.memory_space<hbm>>
    %dma_wait3A_300 = arith.constant 0 : i32
    %dma_wait3A_301 = tpu.memref_slice %arg3[%add3A_279, %dma_wait3A_300] : memref<1024x12288xf32, #tpu.memory_space<hbm>> -> memref<4x12288xf32, #tpu.memory_space<hbm>>
    %dma_wait3A_302 = arith.constant 0 : i32
    %dma_wait3A_303 = arith.constant 0 : i32
    %dma_wait3A_304 = tpu.memref_slice %arg4[%dma_wait3A_293, %dma_wait3A_302, %dma_wait3A_303] : memref<2x4x12288xf32, #tpu.memory_space<vmem>> -> memref<1x4x12288xf32, #tpu.memory_space<vmem>>
    %dma_wait3A_305 = tpu.memref_squeeze %dma_wait3A_304 : memref<1x4x12288xf32, #tpu.memory_space<vmem>> -> memref<4x12288xf32, #tpu.memory_space<vmem>>
    tpu.wait_dma2 semaphore(%arg6 : memref<!tpu.dma_semaphore, #tpu.memory_space<semaphore_mem>>) src(%dma_wait3A_305 : memref<4x12288xf32, #tpu.memory_space<vmem>>) dst(%dma_wait3A_301 : memref<4x12288xf32, #tpu.memory_space<hbm>>)
    %add3A_306 = arith.constant 24 : i32
    %add3A_307 = arith.addi %mul3A_2, %add3A_306 : i32
    %dma_start3A_308 = arith.constant 0 : i32
    %dma_start3A_309 = arith.constant 0 : i32
    %dma_start3A_310 = arith.constant 0 : i32
    %dma_start3A_311 = tpu.memref_slice %arg4[%dma_start3A_308, %dma_start3A_309, %dma_start3A_310] : memref<2x4x12288xf32, #tpu.memory_space<vmem>> -> memref<1x4x12288xf32, #tpu.memory_space<vmem>>
    %dma_start3A_312 = tpu.memref_squeeze %dma_start3A_311 : memref<1x4x12288xf32, #tpu.memory_space<vmem>> -> memref<4x12288xf32, #tpu.memory_space<vmem>>
    %dma_start3A_313 = arith.constant 0 : i32
    %dma_start3A_314 = tpu.memref_slice %arg2[%add3A_307, %dma_start3A_313] : memref<1024x32768xf32, #tpu.memory_space<hbm>> -> memref<4x12288xf32, #tpu.memory_space<hbm>>
    %dma_start3A_315 = arith.constant 0 : i32
    %dma_start3A_316 = arith.constant 0 : i32
    %dma_start3A_317 = tpu.memref_slice %arg4[%dma_start3A_308, %dma_start3A_315, %dma_start3A_316] : memref<2x4x12288xf32, #tpu.memory_space<vmem>> -> memref<1x4x12288xf32, #tpu.memory_space<vmem>>
    %dma_start3A_318 = tpu.memref_squeeze %dma_start3A_317 : memref<1x4x12288xf32, #tpu.memory_space<vmem>> -> memref<4x12288xf32, #tpu.memory_space<vmem>>
    %dma_start3A_319 = arith.constant 0 : i32
    %dma_start3A_320 = tpu.memref_slice %arg2[%add3A_307, %dma_start3A_319] : memref<1024x32768xf32, #tpu.memory_space<hbm>> -> memref<4x12288xf32, #tpu.memory_space<hbm>>
    tpu.enqueue_dma source(%dma_start3A_320 : memref<4x12288xf32, #tpu.memory_space<hbm>>) target(%dma_start3A_318 : memref<4x12288xf32, #tpu.memory_space<vmem>>) target_semaphore(%arg5 : memref<!tpu.dma_semaphore, #tpu.memory_space<semaphore_mem>>)
    %add3A_321 = arith.constant 20 : i32
    %add3A_322 = arith.addi %mul3A_2, %add3A_321 : i32
    %dma_wait3A_323 = arith.constant 1 : i32
    %dma_wait3A_324 = arith.constant 0 : i32
    %dma_wait3A_325 = arith.constant 0 : i32
    %dma_wait3A_326 = tpu.memref_slice %arg4[%dma_wait3A_323, %dma_wait3A_324, %dma_wait3A_325] : memref<2x4x12288xf32, #tpu.memory_space<vmem>> -> memref<1x4x12288xf32, #tpu.memory_space<vmem>>
    %dma_wait3A_327 = tpu.memref_squeeze %dma_wait3A_326 : memref<1x4x12288xf32, #tpu.memory_space<vmem>> -> memref<4x12288xf32, #tpu.memory_space<vmem>>
    %dma_wait3A_328 = arith.constant 0 : i32
    %dma_wait3A_329 = tpu.memref_slice %arg2[%add3A_322, %dma_wait3A_328] : memref<1024x32768xf32, #tpu.memory_space<hbm>> -> memref<4x12288xf32, #tpu.memory_space<hbm>>
    %dma_wait3A_330 = arith.constant 0 : i32
    %dma_wait3A_331 = arith.constant 0 : i32
    %dma_wait3A_332 = tpu.memref_slice %arg4[%dma_wait3A_323, %dma_wait3A_330, %dma_wait3A_331] : memref<2x4x12288xf32, #tpu.memory_space<vmem>> -> memref<1x4x12288xf32, #tpu.memory_space<vmem>>
    %dma_wait3A_333 = tpu.memref_squeeze %dma_wait3A_332 : memref<1x4x12288xf32, #tpu.memory_space<vmem>> -> memref<4x12288xf32, #tpu.memory_space<vmem>>
    %dma_wait3A_334 = arith.constant 0 : i32
    %dma_wait3A_335 = tpu.memref_slice %arg2[%add3A_322, %dma_wait3A_334] : memref<1024x32768xf32, #tpu.memory_space<hbm>> -> memref<4x12288xf32, #tpu.memory_space<hbm>>
    tpu.wait_dma2 semaphore(%arg5 : memref<!tpu.dma_semaphore, #tpu.memory_space<semaphore_mem>>) src(%dma_wait3A_335 : memref<4x12288xf32, #tpu.memory_space<hbm>>) dst(%dma_wait3A_333 : memref<4x12288xf32, #tpu.memory_space<vmem>>)
    %add3A_336 = arith.constant 20 : i32
    %add3A_337 = arith.addi %mul3A_2, %add3A_336 : i32
    %dma_start3A_338 = arith.constant 1 : i32
    %dma_start3A_339 = arith.constant 0 : i32
    %dma_start3A_340 = arith.constant 0 : i32
    %dma_start3A_341 = tpu.memref_slice %arg4[%dma_start3A_338, %dma_start3A_339, %dma_start3A_340] : memref<2x4x12288xf32, #tpu.memory_space<vmem>> -> memref<1x4x12288xf32, #tpu.memory_space<vmem>>
    %dma_start3A_342 = tpu.memref_squeeze %dma_start3A_341 : memref<1x4x12288xf32, #tpu.memory_space<vmem>> -> memref<4x12288xf32, #tpu.memory_space<vmem>>
    %dma_start3A_343 = arith.constant 0 : i32
    %dma_start3A_344 = tpu.memref_slice %arg3[%add3A_337, %dma_start3A_343] : memref<1024x12288xf32, #tpu.memory_space<hbm>> -> memref<4x12288xf32, #tpu.memory_space<hbm>>
    %dma_start3A_345 = arith.constant 0 : i32
    %dma_start3A_346 = tpu.memref_slice %arg3[%add3A_337, %dma_start3A_345] : memref<1024x12288xf32, #tpu.memory_space<hbm>> -> memref<4x12288xf32, #tpu.memory_space<hbm>>
    %dma_start3A_347 = arith.constant 0 : i32
    %dma_start3A_348 = arith.constant 0 : i32
    %dma_start3A_349 = tpu.memref_slice %arg4[%dma_start3A_338, %dma_start3A_347, %dma_start3A_348] : memref<2x4x12288xf32, #tpu.memory_space<vmem>> -> memref<1x4x12288xf32, #tpu.memory_space<vmem>>
    %dma_start3A_350 = tpu.memref_squeeze %dma_start3A_349 : memref<1x4x12288xf32, #tpu.memory_space<vmem>> -> memref<4x12288xf32, #tpu.memory_space<vmem>>
    tpu.enqueue_dma source(%dma_start3A_350 : memref<4x12288xf32, #tpu.memory_space<vmem>>) target(%dma_start3A_346 : memref<4x12288xf32, #tpu.memory_space<hbm>>) target_semaphore(%arg6 : memref<!tpu.dma_semaphore, #tpu.memory_space<semaphore_mem>>)
    %dma_wait3A_351 = arith.constant 1 : i32
    %dma_wait3A_352 = arith.constant 0 : i32
    %dma_wait3A_353 = arith.constant 0 : i32
    %dma_wait3A_354 = tpu.memref_slice %arg4[%dma_wait3A_351, %dma_wait3A_352, %dma_wait3A_353] : memref<2x4x12288xf32, #tpu.memory_space<vmem>> -> memref<1x4x12288xf32, #tpu.memory_space<vmem>>
    %dma_wait3A_355 = tpu.memref_squeeze %dma_wait3A_354 : memref<1x4x12288xf32, #tpu.memory_space<vmem>> -> memref<4x12288xf32, #tpu.memory_space<vmem>>
    %dma_wait3A_356 = arith.constant 0 : i32
    %dma_wait3A_357 = tpu.memref_slice %arg3[%add3A_337, %dma_wait3A_356] : memref<1024x12288xf32, #tpu.memory_space<hbm>> -> memref<4x12288xf32, #tpu.memory_space<hbm>>
    %dma_wait3A_358 = arith.constant 0 : i32
    %dma_wait3A_359 = tpu.memref_slice %arg3[%add3A_337, %dma_wait3A_358] : memref<1024x12288xf32, #tpu.memory_space<hbm>> -> memref<4x12288xf32, #tpu.memory_space<hbm>>
    %dma_wait3A_360 = arith.constant 0 : i32
    %dma_wait3A_361 = arith.constant 0 : i32
    %dma_wait3A_362 = tpu.memref_slice %arg4[%dma_wait3A_351, %dma_wait3A_360, %dma_wait3A_361] : memref<2x4x12288xf32, #tpu.memory_space<vmem>> -> memref<1x4x12288xf32, #tpu.memory_space<vmem>>
    %dma_wait3A_363 = tpu.memref_squeeze %dma_wait3A_362 : memref<1x4x12288xf32, #tpu.memory_space<vmem>> -> memref<4x12288xf32, #tpu.memory_space<vmem>>
    tpu.wait_dma2 semaphore(%arg6 : memref<!tpu.dma_semaphore, #tpu.memory_space<semaphore_mem>>) src(%dma_wait3A_363 : memref<4x12288xf32, #tpu.memory_space<vmem>>) dst(%dma_wait3A_359 : memref<4x12288xf32, #tpu.memory_space<hbm>>)
    %add3A_364 = arith.constant 28 : i32
    %add3A_365 = arith.addi %mul3A_2, %add3A_364 : i32
    %dma_start3A_366 = arith.constant 1 : i32
    %dma_start3A_367 = arith.constant 0 : i32
    %dma_start3A_368 = arith.constant 0 : i32
    %dma_start3A_369 = tpu.memref_slice %arg4[%dma_start3A_366, %dma_start3A_367, %dma_start3A_368] : memref<2x4x12288xf32, #tpu.memory_space<vmem>> -> memref<1x4x12288xf32, #tpu.memory_space<vmem>>
    %dma_start3A_370 = tpu.memref_squeeze %dma_start3A_369 : memref<1x4x12288xf32, #tpu.memory_space<vmem>> -> memref<4x12288xf32, #tpu.memory_space<vmem>>
    %dma_start3A_371 = arith.constant 0 : i32
    %dma_start3A_372 = tpu.memref_slice %arg2[%add3A_365, %dma_start3A_371] : memref<1024x32768xf32, #tpu.memory_space<hbm>> -> memref<4x12288xf32, #tpu.memory_space<hbm>>
    %dma_start3A_373 = arith.constant 0 : i32
    %dma_start3A_374 = arith.constant 0 : i32
    %dma_start3A_375 = tpu.memref_slice %arg4[%dma_start3A_366, %dma_start3A_373, %dma_start3A_374] : memref<2x4x12288xf32, #tpu.memory_space<vmem>> -> memref<1x4x12288xf32, #tpu.memory_space<vmem>>
    %dma_start3A_376 = tpu.memref_squeeze %dma_start3A_375 : memref<1x4x12288xf32, #tpu.memory_space<vmem>> -> memref<4x12288xf32, #tpu.memory_space<vmem>>
    %dma_start3A_377 = arith.constant 0 : i32
    %dma_start3A_378 = tpu.memref_slice %arg2[%add3A_365, %dma_start3A_377] : memref<1024x32768xf32, #tpu.memory_space<hbm>> -> memref<4x12288xf32, #tpu.memory_space<hbm>>
    tpu.enqueue_dma source(%dma_start3A_378 : memref<4x12288xf32, #tpu.memory_space<hbm>>) target(%dma_start3A_376 : memref<4x12288xf32, #tpu.memory_space<vmem>>) target_semaphore(%arg5 : memref<!tpu.dma_semaphore, #tpu.memory_space<semaphore_mem>>)
    %add3A_379 = arith.constant 24 : i32
    %add3A_380 = arith.addi %mul3A_2, %add3A_379 : i32
    %dma_wait3A_381 = arith.constant 0 : i32
    %dma_wait3A_382 = arith.constant 0 : i32
    %dma_wait3A_383 = arith.constant 0 : i32
    %dma_wait3A_384 = tpu.memref_slice %arg4[%dma_wait3A_381, %dma_wait3A_382, %dma_wait3A_383] : memref<2x4x12288xf32, #tpu.memory_space<vmem>> -> memref<1x4x12288xf32, #tpu.memory_space<vmem>>
    %dma_wait3A_385 = tpu.memref_squeeze %dma_wait3A_384 : memref<1x4x12288xf32, #tpu.memory_space<vmem>> -> memref<4x12288xf32, #tpu.memory_space<vmem>>
    %dma_wait3A_386 = arith.constant 0 : i32
    %dma_wait3A_387 = tpu.memref_slice %arg2[%add3A_380, %dma_wait3A_386] : memref<1024x32768xf32, #tpu.memory_space<hbm>> -> memref<4x12288xf32, #tpu.memory_space<hbm>>
    %dma_wait3A_388 = arith.constant 0 : i32
    %dma_wait3A_389 = arith.constant 0 : i32
    %dma_wait3A_390 = tpu.memref_slice %arg4[%dma_wait3A_381, %dma_wait3A_388, %dma_wait3A_389] : memref<2x4x12288xf32, #tpu.memory_space<vmem>> -> memref<1x4x12288xf32, #tpu.memory_space<vmem>>
    %dma_wait3A_391 = tpu.memref_squeeze %dma_wait3A_390 : memref<1x4x12288xf32, #tpu.memory_space<vmem>> -> memref<4x12288xf32, #tpu.memory_space<vmem>>
    %dma_wait3A_392 = arith.constant 0 : i32
    %dma_wait3A_393 = tpu.memref_slice %arg2[%add3A_380, %dma_wait3A_392] : memref<1024x32768xf32, #tpu.memory_space<hbm>> -> memref<4x12288xf32, #tpu.memory_space<hbm>>
    tpu.wait_dma2 semaphore(%arg5 : memref<!tpu.dma_semaphore, #tpu.memory_space<semaphore_mem>>) src(%dma_wait3A_393 : memref<4x12288xf32, #tpu.memory_space<hbm>>) dst(%dma_wait3A_391 : memref<4x12288xf32, #tpu.memory_space<vmem>>)
    %add3A_394 = arith.constant 24 : i32
    %add3A_395 = arith.addi %mul3A_2, %add3A_394 : i32
    %dma_start3A_396 = arith.constant 0 : i32
    %dma_start3A_397 = arith.constant 0 : i32
    %dma_start3A_398 = arith.constant 0 : i32
    %dma_start3A_399 = tpu.memref_slice %arg4[%dma_start3A_396, %dma_start3A_397, %dma_start3A_398] : memref<2x4x12288xf32, #tpu.memory_space<vmem>> -> memref<1x4x12288xf32, #tpu.memory_space<vmem>>
    %dma_start3A_400 = tpu.memref_squeeze %dma_start3A_399 : memref<1x4x12288xf32, #tpu.memory_space<vmem>> -> memref<4x12288xf32, #tpu.memory_space<vmem>>
    %dma_start3A_401 = arith.constant 0 : i32
    %dma_start3A_402 = tpu.memref_slice %arg3[%add3A_395, %dma_start3A_401] : memref<1024x12288xf32, #tpu.memory_space<hbm>> -> memref<4x12288xf32, #tpu.memory_space<hbm>>
    %dma_start3A_403 = arith.constant 0 : i32
    %dma_start3A_404 = tpu.memref_slice %arg3[%add3A_395, %dma_start3A_403] : memref<1024x12288xf32, #tpu.memory_space<hbm>> -> memref<4x12288xf32, #tpu.memory_space<hbm>>
    %dma_start3A_405 = arith.constant 0 : i32
    %dma_start3A_406 = arith.constant 0 : i32
    %dma_start3A_407 = tpu.memref_slice %arg4[%dma_start3A_396, %dma_start3A_405, %dma_start3A_406] : memref<2x4x12288xf32, #tpu.memory_space<vmem>> -> memref<1x4x12288xf32, #tpu.memory_space<vmem>>
    %dma_start3A_408 = tpu.memref_squeeze %dma_start3A_407 : memref<1x4x12288xf32, #tpu.memory_space<vmem>> -> memref<4x12288xf32, #tpu.memory_space<vmem>>
    tpu.enqueue_dma source(%dma_start3A_408 : memref<4x12288xf32, #tpu.memory_space<vmem>>) target(%dma_start3A_404 : memref<4x12288xf32, #tpu.memory_space<hbm>>) target_semaphore(%arg6 : memref<!tpu.dma_semaphore, #tpu.memory_space<semaphore_mem>>)
    %dma_wait3A_409 = arith.constant 0 : i32
    %dma_wait3A_410 = arith.constant 0 : i32
    %dma_wait3A_411 = arith.constant 0 : i32
    %dma_wait3A_412 = tpu.memref_slice %arg4[%dma_wait3A_409, %dma_wait3A_410, %dma_wait3A_411] : memref<2x4x12288xf32, #tpu.memory_space<vmem>> -> memref<1x4x12288xf32, #tpu.memory_space<vmem>>
    %dma_wait3A_413 = tpu.memref_squeeze %dma_wait3A_412 : memref<1x4x12288xf32, #tpu.memory_space<vmem>> -> memref<4x12288xf32, #tpu.memory_space<vmem>>
    %dma_wait3A_414 = arith.constant 0 : i32
    %dma_wait3A_415 = tpu.memref_slice %arg3[%add3A_395, %dma_wait3A_414] : memref<1024x12288xf32, #tpu.memory_space<hbm>> -> memref<4x12288xf32, #tpu.memory_space<hbm>>
    %dma_wait3A_416 = arith.constant 0 : i32
    %dma_wait3A_417 = tpu.memref_slice %arg3[%add3A_395, %dma_wait3A_416] : memref<1024x12288xf32, #tpu.memory_space<hbm>> -> memref<4x12288xf32, #tpu.memory_space<hbm>>
    %dma_wait3A_418 = arith.constant 0 : i32
    %dma_wait3A_419 = arith.constant 0 : i32
    %dma_wait3A_420 = tpu.memref_slice %arg4[%dma_wait3A_409, %dma_wait3A_418, %dma_wait3A_419] : memref<2x4x12288xf32, #tpu.memory_space<vmem>> -> memref<1x4x12288xf32, #tpu.memory_space<vmem>>
    %dma_wait3A_421 = tpu.memref_squeeze %dma_wait3A_420 : memref<1x4x12288xf32, #tpu.memory_space<vmem>> -> memref<4x12288xf32, #tpu.memory_space<vmem>>
    tpu.wait_dma2 semaphore(%arg6 : memref<!tpu.dma_semaphore, #tpu.memory_space<semaphore_mem>>) src(%dma_wait3A_421 : memref<4x12288xf32, #tpu.memory_space<vmem>>) dst(%dma_wait3A_417 : memref<4x12288xf32, #tpu.memory_space<hbm>>)
    %add3A_422 = arith.constant 28 : i32
    %add3A_423 = arith.addi %mul3A_2, %add3A_422 : i32
    %dma_wait3A_424 = arith.constant 1 : i32
    %dma_wait3A_425 = arith.constant 0 : i32
    %dma_wait3A_426 = arith.constant 0 : i32
    %dma_wait3A_427 = tpu.memref_slice %arg4[%dma_wait3A_424, %dma_wait3A_425, %dma_wait3A_426] : memref<2x4x12288xf32, #tpu.memory_space<vmem>> -> memref<1x4x12288xf32, #tpu.memory_space<vmem>>
    %dma_wait3A_428 = tpu.memref_squeeze %dma_wait3A_427 : memref<1x4x12288xf32, #tpu.memory_space<vmem>> -> memref<4x12288xf32, #tpu.memory_space<vmem>>
    %dma_wait3A_429 = arith.constant 0 : i32
    %dma_wait3A_430 = tpu.memref_slice %arg2[%add3A_423, %dma_wait3A_429] : memref<1024x32768xf32, #tpu.memory_space<hbm>> -> memref<4x12288xf32, #tpu.memory_space<hbm>>
    %dma_wait3A_431 = arith.constant 0 : i32
    %dma_wait3A_432 = arith.constant 0 : i32
    %dma_wait3A_433 = tpu.memref_slice %arg4[%dma_wait3A_424, %dma_wait3A_431, %dma_wait3A_432] : memref<2x4x12288xf32, #tpu.memory_space<vmem>> -> memref<1x4x12288xf32, #tpu.memory_space<vmem>>
    %dma_wait3A_434 = tpu.memref_squeeze %dma_wait3A_433 : memref<1x4x12288xf32, #tpu.memory_space<vmem>> -> memref<4x12288xf32, #tpu.memory_space<vmem>>
    %dma_wait3A_435 = arith.constant 0 : i32
    %dma_wait3A_436 = tpu.memref_slice %arg2[%add3A_423, %dma_wait3A_435] : memref<1024x32768xf32, #tpu.memory_space<hbm>> -> memref<4x12288xf32, #tpu.memory_space<hbm>>
    tpu.wait_dma2 semaphore(%arg5 : memref<!tpu.dma_semaphore, #tpu.memory_space<semaphore_mem>>) src(%dma_wait3A_436 : memref<4x12288xf32, #tpu.memory_space<hbm>>) dst(%dma_wait3A_434 : memref<4x12288xf32, #tpu.memory_space<vmem>>)
    %add3A_437 = arith.constant 28 : i32
    %add3A_438 = arith.addi %mul3A_2, %add3A_437 : i32
    %dma_start3A_439 = arith.constant 1 : i32
    %dma_start3A_440 = arith.constant 0 : i32
    %dma_start3A_441 = arith.constant 0 : i32
    %dma_start3A_442 = tpu.memref_slice %arg4[%dma_start3A_439, %dma_start3A_440, %dma_start3A_441] : memref<2x4x12288xf32, #tpu.memory_space<vmem>> -> memref<1x4x12288xf32, #tpu.memory_space<vmem>>
    %dma_start3A_443 = tpu.memref_squeeze %dma_start3A_442 : memref<1x4x12288xf32, #tpu.memory_space<vmem>> -> memref<4x12288xf32, #tpu.memory_space<vmem>>
    %dma_start3A_444 = arith.constant 0 : i32
    %dma_start3A_445 = tpu.memref_slice %arg3[%add3A_438, %dma_start3A_444] : memref<1024x12288xf32, #tpu.memory_space<hbm>> -> memref<4x12288xf32, #tpu.memory_space<hbm>>
    %dma_start3A_446 = arith.constant 0 : i32
    %dma_start3A_447 = tpu.memref_slice %arg3[%add3A_438, %dma_start3A_446] : memref<1024x12288xf32, #tpu.memory_space<hbm>> -> memref<4x12288xf32, #tpu.memory_space<hbm>>
    %dma_start3A_448 = arith.constant 0 : i32
    %dma_start3A_449 = arith.constant 0 : i32
    %dma_start3A_450 = tpu.memref_slice %arg4[%dma_start3A_439, %dma_start3A_448, %dma_start3A_449] : memref<2x4x12288xf32, #tpu.memory_space<vmem>> -> memref<1x4x12288xf32, #tpu.memory_space<vmem>>
    %dma_start3A_451 = tpu.memref_squeeze %dma_start3A_450 : memref<1x4x12288xf32, #tpu.memory_space<vmem>> -> memref<4x12288xf32, #tpu.memory_space<vmem>>
    tpu.enqueue_dma source(%dma_start3A_451 : memref<4x12288xf32, #tpu.memory_space<vmem>>) target(%dma_start3A_447 : memref<4x12288xf32, #tpu.memory_space<hbm>>) target_semaphore(%arg6 : memref<!tpu.dma_semaphore, #tpu.memory_space<semaphore_mem>>)
    %dma_wait3A_452 = arith.constant 1 : i32
    %dma_wait3A_453 = arith.constant 0 : i32
    %dma_wait3A_454 = arith.constant 0 : i32
    %dma_wait3A_455 = tpu.memref_slice %arg4[%dma_wait3A_452, %dma_wait3A_453, %dma_wait3A_454] : memref<2x4x12288xf32, #tpu.memory_space<vmem>> -> memref<1x4x12288xf32, #tpu.memory_space<vmem>>
    %dma_wait3A_456 = tpu.memref_squeeze %dma_wait3A_455 : memref<1x4x12288xf32, #tpu.memory_space<vmem>> -> memref<4x12288xf32, #tpu.memory_space<vmem>>
    %dma_wait3A_457 = arith.constant 0 : i32
    %dma_wait3A_458 = tpu.memref_slice %arg3[%add3A_438, %dma_wait3A_457] : memref<1024x12288xf32, #tpu.memory_space<hbm>> -> memref<4x12288xf32, #tpu.memory_space<hbm>>
    %dma_wait3A_459 = arith.constant 0 : i32
    %dma_wait3A_460 = tpu.memref_slice %arg3[%add3A_438, %dma_wait3A_459] : memref<1024x12288xf32, #tpu.memory_space<hbm>> -> memref<4x12288xf32, #tpu.memory_space<hbm>>
    %dma_wait3A_461 = arith.constant 0 : i32
    %dma_wait3A_462 = arith.constant 0 : i32
    %dma_wait3A_463 = tpu.memref_slice %arg4[%dma_wait3A_452, %dma_wait3A_461, %dma_wait3A_462] : memref<2x4x12288xf32, #tpu.memory_space<vmem>> -> memref<1x4x12288xf32, #tpu.memory_space<vmem>>
    %dma_wait3A_464 = tpu.memref_squeeze %dma_wait3A_463 : memref<1x4x12288xf32, #tpu.memory_space<vmem>> -> memref<4x12288xf32, #tpu.memory_space<vmem>>
    tpu.wait_dma2 semaphore(%arg6 : memref<!tpu.dma_semaphore, #tpu.memory_space<semaphore_mem>>) src(%dma_wait3A_464 : memref<4x12288xf32, #tpu.memory_space<vmem>>) dst(%dma_wait3A_460 : memref<4x12288xf32, #tpu.memory_space<hbm>>)
    return
  }
}

</mosaic_0001>

<sc_bundles>
// kernel: kernel.3.cloned.1.call-start
scs
__scs_entry_jumppad:
0x0: {  	(pc) =	sbr.rel $0x88, $3  }
0x1: {  	(tag) =	ssettag $0x0;
	lr =	simm.s32 $0x1  }
0x2: {  	[smem:$0x3FA0] =	sst lr;
	_ =	strace $0xD0000000  }
0x3: {  	_ = 	snop  }
0x4: {  	_ = 	snop  }
0x5: {  	_ = 	snop  }
0x6: {  	_ = 	snop  }
0x7: {  	_ = 	snop  }
__scs_overlays_trampoline_lowered:
0x8: {  	[smem:$0x3FAF] =	sst s0  }
0x9: {  	[smem:$0x3FB0] =	sst s1  }
0xa: {  	[smem:$0x3FB1] =	sst s2  }
0xb: {  	[smem:$0x3FB2] =	sst s3  }
0xc: {  	[smem:$0x3FB3] =	sst s4  }
0xd: {  	[smem:$0x3FB4] =	sst s5  }
0xe: {  	[smem:$0x3FB5] =	sst s6  }
0xf: {  	[smem:$0x3FB6] =	sst s7  }
0x10: {  	[smem:$0x3FB7] =	sst s8  }
0x11: {  	[smem:$0x3FB8] =	sst s9;
	s0 =	simm.s32 @!p0 $0x0  }
0x12: {  	s1 =	sld [smem:$0x3F9E];
	s0 =	simm.s32 @p0 $0x1  }
0x13: {  	[smem:$0x3FB9] =	sst s0;
	s0 =	simm.s32 @!p1 $0x0  }
0x14: {  	s2 =	sld [smem:$0x3F9D];
	s0 =	simm.s32 @p1 $0x1  }
0x15: {  	[smem:$0x3FBA] =	sst s0;
	s0 =	simm.s32 @!p2 $0x0  }
0x16: {  	s3 =	sld [smem:$0x3FDB];
	s0 =	simm.s32 @p2 $0x1  }
0x17: {  	s4 =	simm.s32 $0x1BF5;
	[smem:$0x3FBC] =	sst s0  }
0x18: {  	s0 =	sld [smem:$0x3F9F];
	_ =	swait.ge [sflag:s4], $0x0  }
0x19: {  	s7 =	sld [smem:$0x3FA0]  }
0x1a: {  	s8 =	sadd.s32 $0xFFFFE003, lr  }
0x1b: {  	s9 =	sadd.s32 $0xFFFFFEF7, lr;
	s5 =	simm.s32 $0xFFFFFFFF;
	p2 =	slt.u32 s8, $0xFFFFF086  }
0x1c: {  	p1 =	slt.u32 s9, $0xF7A;
	s5 =	simm.s32 @!p2 $0x0  }
0x1d: {  	s5 =	simm.s32 @p1 $0x1;
	p0 =	seq.s32 s7, s2  }
0x1e: {  	s7 =	smul.u32 @!p0 $0xF7A, s2;
	p2 =	seq.s32 @!p0 s5, $0x0  }
0x1f: {  	s9 =	smul.u32 $0xF7A, s1;
	s8 =	simm.s32 @!p0 $0x1BF5;
	p2 =	por !p2, p0  }
0x20: {  	[sflag:s8] =	ssyncset.s32 @!p0 $0xFFFFF086;
	s6 =	sadd.s32 @!p0 s3, s7;
	s7 =	simm.s32 @!p0 $0x108  }
0x21: {  	s3 =	sadd.s32 s3, s9;
	s6 =	sadd.s32 @!p0 $0x88, s6;
	s7 =	simm.s32 @p2 $0x1082  }
0x22: {  	[simem:s7], [sflag:s8] =	dma.local @!p0 [hbm:s6], $0xF7A  }
0x23: {  	s9 =	sor.u32 $0xD0000000, s2;
	s6 =	simm.s32 $0x108;
	_ =	swait.ge @!p0 [sflag:s8], $0x0  }
0x24: {  	s3 =	sadd.s32 $0x88, s3;
	s6 =	simm.s32 @!p1 $0x1082;
	[sflag:s4] =	ssyncset.s32 $0xFFFFF086  }
0x25: {  	[simem:s6], [sflag:s4] =	dma.local [hbm:s3], $0xF7A  }
0x26: {  	[smem:$0x3FA0] =	sst s1;
	(tag) =	ssettag s2;
	_ =	strace s9  }
0x27: {  	s1 =	sld [smem:$0x3FB0]  }
0x28: {  	s2 =	sld [smem:$0x3FB1]  }
0x29: {  	s4 =	sld [smem:$0x3FB3]  }
0x2a: {  	p0 =	seq.s32 s5, $0x0;
	s5 =	sld [smem:$0x3FB4]  }
0x2b: {  	s6 =	sld [smem:$0x3FB5]  }
0x2c: {  	s7 =	sld [smem:$0x3FB6]  }
0x2d: {  	s3 =	simm.s32 $0x108;
	s8 =	sld [smem:$0x3FB7]  }
0x2e: {  	s3 =	simm.s32 @!p0 $0x1082;
	s9 =	sld [smem:$0x3FB8]  }
0x2f: {  	lr =	sadd.s32 s0, s3;
	s0 =	sld [smem:$0x3FAF]  }
0x30: {  	s3 =	sld [smem:$0x3FB2]  }
0x31: {  	[smem:$0x3FBB] =	sst s10  }
0x32: {  	s10 =	sld [smem:$0x3FB9];
	_ =	sdelay $0x3  }
0x33: {  	p0 =	seq.s32 s10, $0x1;
	s10 =	sld [smem:$0x3FBB];
	_ =	sdelay $0x3  }
0x34: {  	[smem:$0x3FBB] =	sst s10  }
0x35: {  	s10 =	sld [smem:$0x3FBA];
	_ =	sdelay $0x3  }
0x36: {  	p1 =	seq.s32 s10, $0x1;
	s10 =	sld [smem:$0x3FBB];
	_ =	sdelay $0x3  }
0x37: {  	[smem:$0x3FBB] =	sst s10  }
0x38: {  	s10 =	sld [smem:$0x3FBC]  }
0x39: {  	_ = 	snop;
	(pc) =	sbr.ind lr, $3  }
0x3a: {  	_ = 	snop  }
0x3b: {  	_ = 	snop  }
0x3c: {  	p2 =	seq.s32 s10, $0x1;
	s10 =	sld [smem:$0x3FBB]  }
0x3d: {  	_ =	shalt  }
0x3e: {  	_ =	shalt  }
0x3f: {  	_ =	shalt  }
0x40: {  	_ =	shalt  }
0x41: {  	_ =	shalt  }
0x42: {  	_ =	shalt  }
0x43: {  	_ =	shalt  }
0x44: {  	_ =	shalt  }
0x45: {  	_ =	shalt  }
0x46: {  	_ =	shalt  }
0x47: {  	_ =	shalt  }
0x48: {  	_ =	shalt  }
0x49: {  	_ =	shalt  }
0x4a: {  	_ =	shalt  }
0x4b: {  	_ =	shalt  }
0x4c: {  	_ =	shalt  }
0x4d: {  	_ =	shalt  }
0x4e: {  	_ =	shalt  }
0x4f: {  	_ =	shalt  }
0x50: {  	_ =	shalt  }
0x51: {  	_ =	shalt  }
0x52: {  	_ =	shalt  }
0x53: {  	_ =	shalt  }
0x54: {  	_ =	shalt  }
0x55: {  	_ =	shalt  }
0x56: {  	_ =	shalt  }
0x57: {  	_ =	shalt  }
0x58: {  	_ =	shalt  }
0x59: {  	_ =	shalt  }
0x5a: {  	_ =	shalt  }
0x5b: {  	_ =	shalt  }
0x5c: {  	_ =	shalt  }
0x5d: {  	_ =	shalt  }
0x5e: {  	_ =	shalt  }
0x5f: {  	_ =	shalt  }
0x60: {  	_ =	shalt  }
0x61: {  	_ =	shalt  }
0x62: {  	_ =	shalt  }
0x63: {  	_ =	shalt  }
0x64: {  	_ =	shalt  }
0x65: {  	_ =	shalt  }
0x66: {  	_ =	shalt  }
0x67: {  	_ =	shalt  }
0x68: {  	_ =	shalt  }
0x69: {  	_ =	shalt  }
0x6a: {  	_ =	shalt  }
0x6b: {  	_ =	shalt  }
0x6c: {  	_ =	shalt  }
0x6d: {  	_ =	shalt  }
0x6e: {  	_ =	shalt  }
0x6f: {  	_ =	shalt  }
0x70: {  	_ =	shalt  }
0x71: {  	_ =	shalt  }
0x72: {  	_ =	shalt  }
0x73: {  	_ =	shalt  }
0x74: {  	_ =	shalt  }
0x75: {  	_ =	shalt  }
0x76: {  	_ =	shalt  }
0x77: {  	_ =	shalt  }
0x78: {  	_ =	shalt  }
0x79: {  	_ =	shalt  }
0x7a: {  	_ =	shalt  }
0x7b: {  	_ =	shalt  }
0x7c: {  	_ =	shalt  }
0x7d: {  	_ =	shalt  }
0x7e: {  	_ =	shalt  }
0x7f: {  	_ =	shalt  }
0x80: {  	_ =	shalt  }
0x81: {  	_ =	shalt  }
0x82: {  	_ =	shalt  }
0x83: {  	_ =	shalt  }
0x84: {  	_ =	shalt  }
0x85: {  	_ =	shalt  }
0x86: {  	_ =	shalt  }
0x87: {  	_ =	shalt  }
.Lfunc_end0:
.L_simem_size_0:
called_computation_lowered:
.L_overlay_start_0:
0x88: {  	s2 =	sld [smem:$0x3FD9]  }
0x89: {  	s3 =	sld [smem:$0x3FFE];
	_ =	sdelay $0x1  }
0x8a: {  	s1 =	srdreg.scid  }
0x8b: {  	s0 =	sand.u32 $0x1, s1  }
0x8c: {  	s18 =	sshll.u32 s0, $0xA;
	s2 =	sadd.s32 s3, s2  }
0x8d: {  	s2 =	sadd.s32 s2, s18  }
0x8e: {  	[smem:$0x3FC7] =	sst s2  }
0x8f: {  	_ = 	snop  }
0x90: {  	s2 =	sld [smem:$0x3FC9]  }
0x91: {  	s19 =	sld [smem:$0x3FD0];
	(tm) =	ssettm $0x1  }
0x92: {  	s4 =	sld [smem:$0x3FFB];
	_ =	sdelay $0x3  }
0x93: {  	_ =	strace s4  }
0x94: {  	s4 =	sld [smem:$0x3FFC];
	_ =	sdelay $0x3  }
0x95: {  	_ =	strace s4  }
0x96: {  	s4 =	sld [smem:$0x3FFD];
	_ =	sdelay $0x3  }
0x97: {  	_ =	strace s4  }
0x98: {  	_ =	strace $0x8FFFFFFF  }
0x99: {  	s20 =	sld [smem:$0x3FDB];
	_ =	sdelay $0x1  }
0x9a: {  	s5 =	simm.s32 $_scs_section_size  }
0x9b: {  	s6 =	simm.s32 $_size__tile_overlayer_lowered;
	s7 =	simm.s32 $_tile_overlayer_lowered  }
0x9c: {  	s23 =	simm.s32 $0x1BFF;
	s22 =	sshll.u32 s7, $0x1;
	s4 =	sadd.s32 s5, s20  }
0x9d: {  	s8 =	simm.s32 $0x0;
	s21 =	sshll.u32 s6, $0x1;
	s6 =	sadd.s32 s22, s4  }
0x9e: {  	[timem:s8], [sflag:s23] =	dma.local [hbm:s6], s21  }
0x9f: {  	_ =	swait.ge [sflag:s23], s21  }
0xa0: {  	s5 =	ssub.s32 $0x0, s21;
	[sflag:s23] =	ssyncset.done $0x0  }
0xa1: {  	[sflag:s23] =	ssyncadd.s32 s5;
	_ =	sdelay $0x1  }
0xa2: {  	s24 =	simm.s32 $0x1B8B  }
0xa3: {  	_ =	swait.ge [sflag:s24], $0x1  }
0xa4: {  	[sflag:s24] =	ssyncset.done $0x0  }
0xa5: {  	s25 =	simm.s32 $0x1B8E;
	[sflag:s24] =	ssyncadd.s32 $0xFFFFFFFF  }
0xa6: {  	s26 =	simm.s32 $execute0_lowered;
	[smem:$0x3FD2] =	sst s25  }
0xa7: {  	s5 =	sshll.u32 s26, $0x1;
	_ =	strace $0x80000046;
	[dreg:$0x1] =	wrdreg $0xFFFFFFFF  }
0xa8: {  	s28 =	simm.s32 $_size_execute0_lowered;
	s4 =	sadd.s32 s4, s5;
	[dreg:$0x0] =	wrdreg $0x0  }
0xa9: {  	s5 =	sshll.u32 s28, $0x1;
	[dreg:$0x2] =	wrdreg s4  }
0xaa: {  	[dreg:$0x3] =	wrdreg s5  }
0xab: {  	[dreg:$0x4] =	wrdreg $0xC0  }
0xac: {  	_ =	task [dreg:s8], $0x5FFFF  }
0xad: {  	[dreg:$0x1] =	wrdreg $0xFFFFFFFF  }
0xae: {  	[dreg:$0x0] =	wrdreg $0x60  }
0xaf: {  	[dreg:$0x2] =	wrdreg s2  }
0xb0: {  	[dreg:$0x3] =	wrdreg s19  }
0xb1: {  	[dreg:$0x4] =	wrdreg $0x9  }
0xb2: {  	_ =	task.clear_ibuf [dreg:s8], $0x5FFFF;
	_ =	strace $0x90000046  }
0xb3: {  	s29 =	simm.s32 $0x9;
	_ =	strace $0x80000048  }
0xb4: {  	_ =	swait.ge [sflag:s29], $0x1  }
0xb5: {  	[sflag:s29] =	ssyncadd.s32 $0xFFFFFFFF  }
0xb6: {  	_ =	strace $0x90000048  }
0xb7: {  	_ =	sfence  }
0xb8: {  	s30 =	sld [smem:$0x0];
	_ =	sdelay $0x2  }
0xb9: {  	s31 =	sshll.u32 s1, $0xD;
	s1 =	sshrl.u32 s1, $0x2  }
0xba: {  	s3 =	sand.u32 $0x4000, s31;
	s1 =	sadd.s32 s1, s30  }
0xbb: {  	s0 =	sor.u32 s3, s0;
	s1 =	sshll.u32 s1, $0x11  }
0xbc: {  	s0 =	sor.u32 s1, s0  }
0xbd: {  	s0 =	sadd.s32 $0x8F2B, s0  }
0xbe: {  	[sflag:s0] =	ssyncadd.remote.s32 $0x1  }
0xbf: {  	_ =	sfence.sel $0xFFFF  }
0xc0: {  	[dreg:$0x0] =	wrdreg $0xFFFFFFFF;
	(pc) =	sbr.abs _section_cstart, $3  }
0xc1: {  	[dreg:$0x1] =	wrdreg $0xFFFFFFFF  }
0xc2: {  	_ =	task.clear_ibuf [dreg:s8], $0x2FFFF;
	_ =	strace $0x9FFFFFFF  }
0xc3: {  	(tm) =	ssettm $0x7FFFFFFF  }
tec
execute0_lowered:
.L_overlay_start_1:
0x0: {  	(tag) =	ssettag $0x1  }
0x1: {  	s1 =	srdreg.scid  }
0x2: {  	s19 =	rddreg [dreg:$0x0];
	s0 =	stileid.u32  }
0x3: {  	s22 =	rddreg [dreg:$0x1];
	s2 =	simm.s32 $0x0;
	s23 =	sand.u32 $0x1, s1  }
0x4: {  	s3 =	sshll.u32 s0, $0x6;
	s1 =	rddreg [dreg:$0x2];
	s4 =	sshll.u32 s23, $0x5  }
0x5: {  	s5 =	simm.s32 $0x400;
	[smem:$0x7FF] =	sst s2;
	s3 =	sor.u32 s4, s3  }
0x6: {  	s21 =	sadd.s32 $0x40, s19;
	_ =	strace $0x80000047;
	s6 =	sshll.u32 s3, $0xC  }
0x7: {  	s4 =	simm.s32 $0x200;
	s20 =	sshrl.u32 s3, $0x3;
	s3 =	sadd.s32 s19, s6  }
0x8: {  	[tilespmem:s2], [sflag:$0x1] =	stream.strided.gather [hbm4b:s3+s4], $0xC000, s5, s4, $0x38;
	[tilespmem:$0x18000] =	vst v63  }
0x9: {  	s7 =	simm.s32 $0xC000;
	s8 =	simm.s32 $0x1;
	s6 =	sadd.s32 s6, s21  }
0xa: {  	[tilespmem:s7], [sflag:$0x1] =	stream.strided.gather [hbm4b:s6+s4], $0xC000, s5, s4, $0x38;
	[tilespmem:$0x18000] =	vst v63  }
0xb: {  	s12 =	smul.u32 $0x3000, s20;
	_ =	swait.ge [sflag:s8], $0xC000  }
0xc: {  	[sflag:s8] =	ssyncset.done $0x0  }
0xd: {  	s9 =	simm.s32 $0x2;
	s10 =	sadd.s32 s22, s12;
	[sflag:s8] =	ssyncadd.s32 $0xFFFF4000  }
0xe: {  	[hbm4b:s10+s4] =	stream.strided.scatter [tilespmem:s2], [sflag:$0x2], $0xC000, s5, s4, $0x38;
	[tilespmem:$0x18000] =	vst v63  }
0xf: {  	s14 =	sor.u32 $0x1, s20;
	_ =	swait.ge [sflag:s9], $0xC000  }
0x10: {  	s13 =	sshll.u32 s14, $0xF;
	[sflag:s9] =	ssyncset.done $0x0  }
0x11: {  	s11 =	sadd.s32 s19, s13;
	[sflag:s9] =	ssyncadd.s32 $0xFFFF4000  }
0x12: {  	[tilespmem:s2], [sflag:$0x1] =	stream.strided.gather [hbm4b:s11+s4], $0xC000, s5, s4, $0x38;
	[tilespmem:$0x18000] =	vst v63  }
0x13: {  	_ =	swait.ge [sflag:s8], $0xC000  }
0x14: {  	s24 =	sadd.s32 $0x40, s22;
	[sflag:s8] =	ssyncset.done $0x0  }
0x15: {  	s12 =	sadd.s32 s12, s24;
	[sflag:s8] =	ssyncadd.s32 $0xFFFF4000  }
0x16: {  	[hbm4b:s12+s4] =	stream.strided.scatter [tilespmem:s7], [sflag:$0x2], $0xC000, s5, s4, $0x38;
	[tilespmem:$0x18000] =	vst v63  }
0x17: {  	_ =	swait.ge [sflag:s9], $0xC000  }
0x18: {  	[sflag:s9] =	ssyncset.done $0x0  }
0x19: {  	s13 =	sadd.s32 s13, s21;
	[sflag:s9] =	ssyncadd.s32 $0xFFFF4000  }
0x1a: {  	[tilespmem:s7], [sflag:$0x1] =	stream.strided.gather [hbm4b:s13+s4], $0xC000, s5, s4, $0x38;
	[tilespmem:$0x18000] =	vst v63  }
0x1b: {  	s16 =	smul.u32 $0x3000, s14;
	_ =	swait.ge [sflag:s8], $0xC000  }
0x1c: {  	[sflag:s8] =	ssyncset.done $0x0  }
0x1d: {  	s14 =	sadd.s32 s22, s16;
	[sflag:s8] =	ssyncadd.s32 $0xFFFF4000  }
0x1e: {  	[hbm4b:s14+s4] =	stream.strided.scatter [tilespmem:s2], [sflag:$0x2], $0xC000, s5, s4, $0x38;
	[tilespmem:$0x18000] =	vst v63  }
0x1f: {  	s18 =	sor.u32 $0x2, s20;
	_ =	swait.ge [sflag:s9], $0xC000  }
0x20: {  	s17 =	sshll.u32 s18, $0xF;
	[sflag:s9] =	ssyncset.done $0x0  }
0x21: {  	s15 =	sadd.s32 s19, s17;
	[sflag:s9] =	ssyncadd.s32 $0xFFFF4000  }
0x22: {  	[tilespmem:s2], [sflag:$0x1] =	stream.strided.gather [hbm4b:s15+s4], $0xC000, s5, s4, $0x38;
	[tilespmem:$0x18000] =	vst v63  }
0x23: {  	_ =	swait.ge [sflag:s8], $0xC000  }
0x24: {  	[sflag:s8] =	ssyncset.done $0x0  }
0x25: {  	s16 =	sadd.s32 s16, s24;
	[sflag:s8] =	ssyncadd.s32 $0xFFFF4000  }
0x26: {  	[hbm4b:s16+s4] =	stream.strided.scatter [tilespmem:s7], [sflag:$0x2], $0xC000, s5, s4, $0x38;
	[tilespmem:$0x18000] =	vst v63  }
0x27: {  	_ =	swait.ge [sflag:s9], $0xC000  }
0x28: {  	[sflag:s9] =	ssyncset.done $0x0  }
0x29: {  	s17 =	sadd.s32 s17, s21;
	[sflag:s9] =	ssyncadd.s32 $0xFFFF4000  }
0x2a: {  	[tilespmem:s7], [sflag:$0x1] =	stream.strided.gather [hbm4b:s17+s4], $0xC000, s5, s4, $0x38;
	[tilespmem:$0x18000] =	vst v63  }
0x2b: {  	s25 =	smul.u32 $0x3000, s18;
	_ =	swait.ge [sflag:s8], $0xC000  }
0x2c: {  	[sflag:s8] =	ssyncset.done $0x0  }
0x2d: {  	s18 =	sadd.s32 s22, s25;
	[sflag:s8] =	ssyncadd.s32 $0xFFFF4000  }
0x2e: {  	[hbm4b:s18+s4] =	stream.strided.scatter [tilespmem:s2], [sflag:$0x2], $0xC000, s5, s4, $0x38;
	[tilespmem:$0x18000] =	vst v63  }
0x2f: {  	s26 =	sor.u32 $0x3, s20;
	_ =	swait.ge [sflag:s9], $0xC000  }
0x30: {  	s28 =	sshll.u32 s26, $0xF;
	[sflag:s9] =	ssyncset.done $0x0  }
0x31: {  	s19 =	sadd.s32 s19, s28;
	[sflag:s9] =	ssyncadd.s32 $0xFFFF4000  }
0x32: {  	[tilespmem:s2], [sflag:$0x1] =	stream.strided.gather [hbm4b:s19+s4], $0xC000, s5, s4, $0x38;
	[tilespmem:$0x18000] =	vst v63  }
0x33: {  	_ =	swait.ge [sflag:s8], $0xC000  }
0x34: {  	[sflag:s8] =	ssyncset.done $0x0  }
0x35: {  	s20 =	sadd.s32 s25, s24;
	[sflag:s8] =	ssyncadd.s32 $0xFFFF4000  }
0x36: {  	[hbm4b:s20+s4] =	stream.strided.scatter [tilespmem:s7], [sflag:$0x2], $0xC000, s5, s4, $0x38;
	[tilespmem:$0x18000] =	vst v63  }
0x37: {  	_ =	swait.ge [sflag:s9], $0xC000  }
0x38: {  	[sflag:s9] =	ssyncset.done $0x0  }
0x39: {  	s21 =	sadd.s32 s28, s21;
	[sflag:s9] =	ssyncadd.s32 $0xFFFF4000  }
0x3a: {  	[tilespmem:s7], [sflag:$0x1] =	stream.strided.gather [hbm4b:s21+s4], $0xC000, s5, s4, $0x38;
	[tilespmem:$0x18000] =	vst v63  }
0x3b: {  	s29 =	smul.u32 $0x3000, s26;
	_ =	swait.ge [sflag:s8], $0xC000  }
0x3c: {  	[sflag:s8] =	ssyncset.done $0x0  }
0x3d: {  	s23 =	ssub.s32 $0x2, s23;
	s22 =	sadd.s32 s22, s29;
	[sflag:s8] =	ssyncadd.s32 $0xFFFF4000  }
0x3e: {  	[hbm4b:s22+s4] =	stream.strided.scatter [tilespmem:s2], [sflag:$0x2], $0xC000, s5, s4, $0x38;
	[tilespmem:$0x18000] =	vst v63  }
0x3f: {  	s30 =	sshrl.u32 s23, $0x1;
	_ =	swait.ge [sflag:s9], $0xC000  }
0x40: {  	s26 =	ssub.s32 s23, s30;
	[sflag:s9] =	ssyncset.done $0x0  }
0x41: {  	s31 =	smax.u32 s26, $0x1;
	[sflag:s9] =	ssyncadd.s32 $0xFFFF4000  }
0x42: {  	p0 =	sne.s32 s31, $0x1;
	_ =	swait.ge [sflag:s8], $0xC000  }
.Ltmp0:
0x43: {  	[sflag:s8] =	ssyncset.done $0x0;
	(pc) =	sbr.rel @!p0 .LBB2_2-.Ltmp0, $4  }
0x44: {  	s23 =	sadd.s32 s29, s24;
	[sflag:s8] =	ssyncadd.s32 $0xFFFF4000  }
0x45: {  	[hbm4b:s23+s4] =	stream.strided.scatter [tilespmem:s7], [sflag:$0x2], $0xC000, s5, s4, $0x38;
	[tilespmem:$0x18000] =	vst v63  }
0x46: {  	_ =	swait.ge [sflag:s9], $0xC000  }
0x47: {  	s24 =	sadd.s32 $0xFFFFFFFF, s31;
	[sflag:s9] =	ssyncset.done $0x0  }
.LBB2_1:
0x48: {  	p0 =	sne.s32 s24, $0x1;
	s24 =	sadd.s32 $0xFFFFFFFF, s24;
	[sflag:s9] =	ssyncadd.s32 $0xFFFF4000  }
0x49: {  	[tilespmem:s2], [sflag:$0x1] =	stream.strided.gather [hbm4b:s3+s4], $0xC000, s5, s4, $0x38;
	[tilespmem:$0x18000] =	vst v63  }
0x4a: {  	_ = 	snop  }
0x4b: {  	[tilespmem:s7], [sflag:$0x1] =	stream.strided.gather [hbm4b:s6+s4], $0xC000, s5, s4, $0x38;
	[tilespmem:$0x18000] =	vst v63  }
0x4c: {  	_ =	swait.ge [sflag:s8], $0xC000  }
0x4d: {  	[sflag:s8] =	ssyncset.done $0x0  }
0x4e: {  	[sflag:s8] =	ssyncadd.s32 $0xFFFF4000  }
0x4f: {  	[hbm4b:s10+s4] =	stream.strided.scatter [tilespmem:s2], [sflag:$0x2], $0xC000, s5, s4, $0x38;
	[tilespmem:$0x18000] =	vst v63  }
0x50: {  	_ =	swait.ge [sflag:s9], $0xC000  }
0x51: {  	[sflag:s9] =	ssyncset.done $0x0  }
0x52: {  	[sflag:s9] =	ssyncadd.s32 $0xFFFF4000  }
0x53: {  	[tilespmem:s2], [sflag:$0x1] =	stream.strided.gather [hbm4b:s11+s4], $0xC000, s5, s4, $0x38;
	[tilespmem:$0x18000] =	vst v63  }
0x54: {  	_ =	swait.ge [sflag:s8], $0xC000  }
0x55: {  	[sflag:s8] =	ssyncset.done $0x0  }
0x56: {  	[sflag:s8] =	ssyncadd.s32 $0xFFFF4000  }
0x57: {  	[hbm4b:s12+s4] =	stream.strided.scatter [tilespmem:s7], [sflag:$0x2], $0xC000, s5, s4, $0x38;
	[tilespmem:$0x18000] =	vst v63  }
0x58: {  	_ =	swait.ge [sflag:s9], $0xC000  }
0x59: {  	[sflag:s9] =	ssyncset.done $0x0  }
0x5a: {  	[sflag:s9] =	ssyncadd.s32 $0xFFFF4000  }
0x5b: {  	[tilespmem:s7], [sflag:$0x1] =	stream.strided.gather [hbm4b:s13+s4], $0xC000, s5, s4, $0x38;
	[tilespmem:$0x18000] =	vst v63  }
0x5c: {  	_ =	swait.ge [sflag:s8], $0xC000  }
0x5d: {  	[sflag:s8] =	ssyncset.done $0x0  }
0x5e: {  	[sflag:s8] =	ssyncadd.s32 $0xFFFF4000  }
0x5f: {  	[hbm4b:s14+s4] =	stream.strided.scatter [tilespmem:s2], [sflag:$0x2], $0xC000, s5, s4, $0x38;
	[tilespmem:$0x18000] =	vst v63  }
0x60: {  	_ =	swait.ge [sflag:s9], $0xC000  }
0x61: {  	[sflag:s9] =	ssyncset.done $0x0  }
0x62: {  	[sflag:s9] =	ssyncadd.s32 $0xFFFF4000  }
0x63: {  	[tilespmem:s2], [sflag:$0x1] =	stream.strided.gather [hbm4b:s15+s4], $0xC000, s5, s4, $0x38;
	[tilespmem:$0x18000] =	vst v63  }
0x64: {  	_ =	swait.ge [sflag:s8], $0xC000  }
0x65: {  	[sflag:s8] =	ssyncset.done $0x0  }
0x66: {  	[sflag:s8] =	ssyncadd.s32 $0xFFFF4000  }
0x67: {  	[hbm4b:s16+s4] =	stream.strided.scatter [tilespmem:s7], [sflag:$0x2], $0xC000, s5, s4, $0x38;
	[tilespmem:$0x18000] =	vst v63  }
0x68: {  	_ =	swait.ge [sflag:s9], $0xC000  }
0x69: {  	[sflag:s9] =	ssyncset.done $0x0  }
0x6a: {  	[sflag:s9] =	ssyncadd.s32 $0xFFFF4000  }
0x6b: {  	[tilespmem:s7], [sflag:$0x1] =	stream.strided.gather [hbm4b:s17+s4], $0xC000, s5, s4, $0x38;
	[tilespmem:$0x18000] =	vst v63  }
0x6c: {  	_ =	swait.ge [sflag:s8], $0xC000  }
0x6d: {  	[sflag:s8] =	ssyncset.done $0x0  }
0x6e: {  	[sflag:s8] =	ssyncadd.s32 $0xFFFF4000  }
0x6f: {  	[hbm4b:s18+s4] =	stream.strided.scatter [tilespmem:s2], [sflag:$0x2], $0xC000, s5, s4, $0x38;
	[tilespmem:$0x18000] =	vst v63  }
0x70: {  	_ =	swait.ge [sflag:s9], $0xC000  }
0x71: {  	[sflag:s9] =	ssyncset.done $0x0  }
0x72: {  	[sflag:s9] =	ssyncadd.s32 $0xFFFF4000  }
0x73: {  	[tilespmem:s2], [sflag:$0x1] =	stream.strided.gather [hbm4b:s19+s4], $0xC000, s5, s4, $0x38;
	[tilespmem:$0x18000] =	vst v63  }
0x74: {  	_ =	swait.ge [sflag:s8], $0xC000  }
0x75: {  	[sflag:s8] =	ssyncset.done $0x0  }
0x76: {  	[sflag:s8] =	ssyncadd.s32 $0xFFFF4000  }
0x77: {  	[hbm4b:s20+s4] =	stream.strided.scatter [tilespmem:s7], [sflag:$0x2], $0xC000, s5, s4, $0x38;
	[tilespmem:$0x18000] =	vst v63  }
0x78: {  	_ =	swait.ge [sflag:s9], $0xC000  }
0x79: {  	[sflag:s9] =	ssyncset.done $0x0  }
0x7a: {  	[sflag:s9] =	ssyncadd.s32 $0xFFFF4000  }
0x7b: {  	[tilespmem:s7], [sflag:$0x1] =	stream.strided.gather [hbm4b:s21+s4], $0xC000, s5, s4, $0x38;
	[tilespmem:$0x18000] =	vst v63  }
0x7c: {  	_ =	swait.ge [sflag:s8], $0xC000  }
0x7d: {  	[sflag:s8] =	ssyncset.done $0x0  }
0x7e: {  	[sflag:s8] =	ssyncadd.s32 $0xFFFF4000  }
0x7f: {  	[hbm4b:s22+s4] =	stream.strided.scatter [tilespmem:s2], [sflag:$0x2], $0xC000, s5, s4, $0x38;
	[tilespmem:$0x18000] =	vst v63  }
0x80: {  	_ =	swait.ge [sflag:s9], $0xC000  }
0x81: {  	[sflag:s9] =	ssyncset.done $0x0  }
0x82: {  	[sflag:s9] =	ssyncadd.s32 $0xFFFF4000  }
0x83: {  	_ =	swait.ge [sflag:s8], $0xC000  }
.Ltmp1:
0x84: {  	[sflag:s8] =	ssyncset.done $0x0;
	(pc) =	sbr.rel @p0 .LBB2_1-.Ltmp1, $4  }
0x85: {  	[sflag:s8] =	ssyncadd.s32 $0xFFFF4000  }
0x86: {  	[hbm4b:s23+s4] =	stream.strided.scatter [tilespmem:s7], [sflag:$0x2], $0xC000, s5, s4, $0x38;
	[tilespmem:$0x18000] =	vst v63  }
0x87: {  	_ =	swait.ge [sflag:s9], $0xC000  }
0x88: {  	[sflag:s9] =	ssyncset.done $0x0  }
.LBB2_2:
0x89: {  	[sflag:s9] =	ssyncadd.s32 $0xFFFF4000  }
0x8a: {  	_ =	sfence.sel $0x180000  }
0x8b: {  	[bflag:$0x0] =	sbarrier.arrive $0xFFFF  }
0x8c: {  	p0 =	sne.s32 s0, $0x0;
	_ =	strace $0x90000047  }
0x8d: {  	s0 =	sadd.s32 @!p0 $0x100000, s1;
	[bflag:$0x2] =	sbarrier.arrive $0xFFFF  }
0x8e: {  	[sflag:s0] =	ssyncadd.tile.s32 @!p0 $0x1;
	_ =	shalt  }
.Lfunc_end2:
_tile_overlayer_lowered:
.L_overlay_start_2:
0x8f: {  	(tag) =	ssettag $0x2  }
0x90: {  	s0 =	rddreg [dreg:$0x0];
	s2 =	stileid.u32  }
0x91: {  	s1 =	rddreg [dreg:$0x1];
	p0 =	sne.s32 s2, $0x0  }
0x92: {  	s3 =	rddreg [dreg:$0x2];
	[bflag:$0x3] =	sbarrier.arrive $0xFFFF;
	s2 =	simm.s32 @!p0 $0x1C03  }
0x93: {  	[timem:s3], [sflag:s2] =	dma.local @!p0 [hbm:s0], s1  }
0x94: {  	s0 =	simm.s32 @!p0 $0x3  }
0x95: {  	_ =	swait.ge @!p0 [sflag:s0], s1  }
0x96: {  	s1 =	ssub.s32 @!p0 $0x0, s1;
	[sflag:s0] =	ssyncset.done @!p0 $0x0  }
0x97: {  	[sflag:s0] =	ssyncadd.s32 @!p0 s1  }
0x98: {  	[bflag:$0x3] =	sbarrier.arrive $0xFFFF  }
0x99: {  	_ =	shalt  }

</sc_bundles>
